<compile_context>
chip_gen: v7x
topology: tpu7x:2x2x1
jax: 0.10.2.dev20260603
libtpu: 0.0.44.dev20260713+nightly
codegen_flags: <defaults>
</compile_context>

<pallas_src>
import functools

import jax
import jax.numpy as jnp
from jax import lax
from jax.experimental import pallas as pl
from jax.experimental.pallas import tpu as pltpu
from jax.experimental.pallas import tpu_sc as plsc

_N = 10000
_E = 320000
_D_IN = 128
_D_HID = 64
_D_OUT = 128

_NC = 2
_NS = 16
_NW = _NC * _NS
_EPW = _E // _NW
_CHUNK = 125
_NCHUNK = _EPW // _CHUNK
_K = 8


def _mm1_body(xa_ref, xb_ref, w_ref, o_ref):
    w = w_ref[...]
    ha = jnp.dot(xa_ref[...], w, preferred_element_type=jnp.float32)
    hb = jnp.dot(xb_ref[...], w, preferred_element_type=jnp.float32)
    o_ref[...] = jnp.concatenate([ha, hb], axis=1)


def _mlp_body(pa_ref, pb_ref, b1_ref, w2_ref, b2_ref, w3_ref, b3_ref, o_ref):
    j = pl.program_id(0)
    h = jnp.maximum(pa_ref[...] + pb_ref[...] + b1_ref[...], 0.0)
    h = jnp.maximum(
        jnp.dot(h, w2_ref[...], preferred_element_type=jnp.float32) + b2_ref[...], 0.0)
    w3 = w3_ref[...]
    lo = jnp.dot(h[:, :_D_HID], w3, preferred_element_type=jnp.float32)
    hi = jnp.dot(h[:, _D_HID:], w3, preferred_element_type=jnp.float32)
    o_ref[...] = jnp.where(j == 0, lo, hi) + b3_ref[...]


def _blockdiag2(w):
    fi, fo = w.shape
    z = jnp.zeros((fi, fo), w.dtype)
    return jnp.concatenate(
        [jnp.concatenate([w, z], axis=1), jnp.concatenate([z, w], axis=1)], axis=0)


def _sc_aggregate(f1, src3, dst3):
    mesh = plsc.VectorSubcoreMesh(core_axis_name="c", subcore_axis_name="s")

    @functools.partial(
        pl.kernel,
        out_type=jax.ShapeDtypeStruct((_NC, _N, _D_HID), jnp.float32),
        mesh=mesh,
        scratch_types=[
            pltpu.VMEM((_NCHUNK, _CHUNK), jnp.int32),
            pltpu.VMEM((_NCHUNK, _CHUNK), jnp.int32),
            pltpu.VMEM((_K * _CHUNK, _D_HID), jnp.float32),
            pltpu.VMEM_SHARED((_N, _D_HID), jnp.float32),
            pltpu.SemaphoreType.DMA((_K,)),
            pltpu.SemaphoreType.DMA((_K,)),
        ],
        compiler_params=pltpu.CompilerParams(use_tc_tiling_on_sc=False),
    )
    def body(f1_hbm, src_hbm, dst_hbm, out_hbm, src_v, dst_v, rows_v, acc_sh,
             gsem, ssem):
        c = lax.axis_index("c")
        s = lax.axis_index("s")
        wid = s * _NC + c

        pltpu.sync_copy(src_hbm.at[wid], src_v)
        pltpu.sync_copy(dst_hbm.at[wid], dst_v)

        def zero_body(i, carry):
            for k in range(_D_HID // 16):
                rows_v[i, pl.ds(k * 16, 16)] = jnp.zeros((16,), jnp.float32)
            return carry
        lax.fori_loop(0, _CHUNK, zero_body, 0)
        slab = s * (_N // _NS)
        for r in range((_N // _NS) // _CHUNK):
            pltpu.sync_copy(rows_v.at[pl.ds(0, _CHUNK)],
                            acc_sh.at[pl.ds(slab + r * _CHUNK, _CHUNK)])
        plsc.subcore_barrier()

        def edge_body(i, carry):
            base_c = i * _K
            gcps = []
            for t in range(_K):
                gcps.append(pltpu.async_copy(
                    f1_hbm.at[src_v.at[base_c + t]],
                    rows_v.at[pl.ds(t * _CHUNK, _CHUNK)], gsem.at[t]))
            scps = []
            for t in range(_K):
                gcps[t].wait()
                scps.append(pltpu.async_copy(
                    rows_v.at[pl.ds(t * _CHUNK, _CHUNK)],
                    acc_sh.at[dst_v.at[base_c + t]], ssem.at[t], add=True))
            for t in range(_K):
                scps[t].wait()
            return carry
        lax.fori_loop(0, _NCHUNK // _K, edge_body, 0)
        plsc.subcore_barrier()

        @pl.when(s < 10)
        def _():
            pltpu.sync_copy(acc_sh.at[pl.ds(s * 1000, 1000)],
                            out_hbm.at[c, pl.ds(s * 1000, 1000)])

    return body(f1, src3, dst3)


@jax.jit
def _impl(feature, edge_index, W1, b1, W2, b2, W3, b3):
    half = _N // 2
    src = edge_index[0]
    dst = edge_index[1]
    srcr = jnp.where(src < half, src * 2, src * 2 - (_N - 1))
    dstr = jnp.where(dst < half, dst * 2, dst * 2 - (_N - 1))
    src3 = srcr.reshape(_NW, _NCHUNK, _CHUNK)
    dst3 = dstr.reshape(_NW, _NCHUNK, _CHUNK)

    nb = 5
    blk = half // nb
    f1p = pl.pallas_call(
        _mm1_body,
        grid=(nb,),
        in_specs=[
            pl.BlockSpec((blk, _D_IN), lambda i: (i, 0)),
            pl.BlockSpec((blk, _D_IN), lambda i: (i + nb, 0)),
            pl.BlockSpec((_D_IN, _D_HID), lambda i: (0, 0)),
        ],
        out_specs=pl.BlockSpec((blk, 2 * _D_HID), lambda i: (i, 0)),
        out_shape=jax.ShapeDtypeStruct((half, 2 * _D_HID), jnp.float32),
    )(feature, feature, W1)
    f1 = f1p.reshape(_N, _D_HID)

    partials = _sc_aggregate(f1, src3, dst3)
    p128 = partials.reshape(_N, 2 * _D_HID)

    out = pl.pallas_call(
        _mlp_body,
        grid=(2, nb),
        in_specs=[
            pl.BlockSpec((blk, 2 * _D_HID), lambda j, i: (i, 0)),
            pl.BlockSpec((blk, 2 * _D_HID), lambda j, i: (i + nb, 0)),
            pl.BlockSpec((1, 2 * _D_HID), lambda j, i: (0, 0)),
            pl.BlockSpec((2 * _D_HID, 2 * _D_HID), lambda j, i: (0, 0)),
            pl.BlockSpec((1, 2 * _D_HID), lambda j, i: (0, 0)),
            pl.BlockSpec((_D_HID, _D_OUT), lambda j, i: (0, 0)),
            pl.BlockSpec((1, _D_OUT), lambda j, i: (0, 0)),
        ],
        out_specs=pl.BlockSpec((blk, _D_OUT), lambda j, i: (j * nb + i, 0)),
        out_shape=jax.ShapeDtypeStruct((_N, _D_OUT), jnp.float32),
    )(p128, p128,
      jnp.tile(b1, 2).reshape(1, 2 * _D_HID), _blockdiag2(W2),
      jnp.tile(b2, 2).reshape(1, 2 * _D_HID), W3,
      b3.reshape(1, _D_OUT))
    return out


def kernel(feature, edge_index, W1, b1, W2, b2, W3, b3):
    return _impl(feature, edge_index, W1, b1, W2, b2, W3, b3)

# --- scband reference (transcript-rebuilt; emitter-appended) ---
"""Pipeline reference for scband-gcnlayer-55800215109788 (READ-ONLY COPY).

The authoritative reference and input builder live on the scoring server;
editing this copy changes nothing except your own understanding.
"""

import jax, jax.numpy as jnp
import numpy as np

N = 10000
E = 320000
D_IN = 128
D_HID = 64  # int(in_feats / 2)
D_OUT = 128
NUM_PROP = 1


def _linear_init(key, fan_in, fan_out):
    k1, k2 = jax.random.split(key)
    bound = 1.0 / np.sqrt(fan_in)
    W = jax.random.uniform(k1, (fan_in, fan_out), minval=-bound, maxval=bound, dtype=jnp.float32)
    b = jax.random.uniform(k2, (fan_out,), minval=-bound, maxval=bound, dtype=jnp.float32)
    return W, b


def setup_inputs(seed: int = 0) -> dict:
    key = jax.random.key(seed)
    ks = jax.random.split(key, 6)
    feature = jax.random.normal(ks[0], (N, D_IN), dtype=jnp.float32)
    edge_index = jax.random.randint(ks[1], (2, E), 0, N, dtype=jnp.int32)
    # global_update MLP params: Linear(D_IN, D_HID) -> ReLU -> Linear(D_HID, D_HID) -> ReLU -> Linear(D_HID, D_OUT)
    W1, b1 = _linear_init(ks[2], D_IN, D_HID)
    W2, b2 = _linear_init(ks[3], D_HID, D_HID)
    W3, b3 = _linear_init(ks[4], D_HID, D_OUT)
    return {"feature": feature, "edge_index": edge_index,
            "W1": W1, "b1": b1, "W2": W2, "b2": b2, "W3": W3, "b3": b3}


def reference(feature, edge_index, W1, b1, W2, b2, W3, b3):
    # layer_type='simplest': message = copy_src(feat), reduce = sum over incoming edges,
    # repeated num_prop times, then global_update MLP.
    src = edge_index[0]
    dst = edge_index[1]
    h = feature
    for _ in range(NUM_PROP):
        msg = jnp.take(h, src, axis=0)            # gather source node features per edge
        h = jax.ops.segment_sum(msg, dst, num_segments=N)  # scatter-add to dst nodes
    h = jax.nn.relu(h @ W1 + b1)
    h = jax.nn.relu(h @ W2 + b2)
    out = h @ W3 + b3
    return out

if __name__ == "__main__":
    import jax
    _d = setup_inputs()
    print(jax.jit(kernel)(*tuple(_d.values())))

</pallas_src>

<mosaic_0001>
#map = affine_map<(d0, d1) -> (0, 0)>
#map1 = affine_map<(d0, d1) -> (0, 0, 0)>
module attributes {stable_mosaic.version = 14 : i64} {
  func.func @body(%arg0: i32, %arg1: i32, %arg2: memref<10000x64xf32, #tpu.memory_space<hbm>>, %arg3: memref<32x80x125xi32, #tpu.memory_space<hbm>>, %arg4: memref<32x80x125xi32, #tpu.memory_space<hbm>>, %arg5: memref<2x10000x64xf32, #tpu.memory_space<hbm>>, %arg6: memref<80x125xi32, #tpu.memory_space<vmem>>, %arg7: memref<80x125xi32, #tpu.memory_space<vmem>>, %arg8: memref<1000x64xf32, #tpu.memory_space<vmem>>, %arg9: memref<10000x64xf32, #tpu.memory_space<vmem_shared>>, %arg10: memref<8x!tpu.dma_semaphore, #tpu.memory_space<semaphore_mem>>, %arg11: memref<8x!tpu.dma_semaphore, #tpu.memory_space<semaphore_mem>>) attributes {dimension_semantics = [#tpu.dimension_semantics<core_parallel>, #tpu.dimension_semantics<subcore_parallel>], iteration_bounds = array<i64: 2, 16>, scalar_prefetch = 0 : i64, scratch_operands = 6 : i64, tpu.core_type = #tpu.core_type<sc_vector_subcore>, window_params = [{transform_indices = #map}, {transform_indices = #map1}, {transform_indices = #map1}, {transform_indices = #map1}]} {
    %mul3A = arith.constant 2 : i32
    %mul3A_0 = arith.muli %arg1, %mul3A : i32
    %add3A = arith.addi %mul3A_0, %arg0 : i32
    "tpu.region"() ({
      %run_scoped3A = tpu.sem_alloc : memref<!tpu.dma_semaphore, #tpu.memory_space<semaphore_mem>>
      %dma_start3A = arith.constant 0 : i32
      %dma_start3A_27 = arith.constant 0 : i32
      %dma_start3A_28 = tpu.memref_slice %arg3[%add3A, %dma_start3A, %dma_start3A_27] : memref<32x80x125xi32, #tpu.memory_space<hbm>> -> memref<1x80x125xi32, #tpu.memory_space<hbm>>
      %dma_start3A_29 = tpu.memref_squeeze %dma_start3A_28 : memref<1x80x125xi32, #tpu.memory_space<hbm>> -> memref<80x125xi32, #tpu.memory_space<hbm>>
      %dma_start3A_30 = arith.constant 0 : i32
      %dma_start3A_31 = arith.constant 0 : i32
      %dma_start3A_32 = tpu.memref_slice %arg3[%add3A, %dma_start3A_30, %dma_start3A_31] : memref<32x80x125xi32, #tpu.memory_space<hbm>> -> memref<1x80x125xi32, #tpu.memory_space<hbm>>
      %dma_start3A_33 = tpu.memref_squeeze %dma_start3A_32 : memref<1x80x125xi32, #tpu.memory_space<hbm>> -> memref<80x125xi32, #tpu.memory_space<hbm>>
      tpu.enqueue_dma source(%dma_start3A_33 : memref<80x125xi32, #tpu.memory_space<hbm>>) target(%arg6 : memref<80x125xi32, #tpu.memory_space<vmem>>) target_semaphore(%run_scoped3A : memref<!tpu.dma_semaphore, #tpu.memory_space<semaphore_mem>>)
      %dma_wait3A = arith.constant 0 : i32
      %dma_wait3A_34 = arith.constant 0 : i32
      %dma_wait3A_35 = tpu.memref_slice %arg3[%add3A, %dma_wait3A, %dma_wait3A_34] : memref<32x80x125xi32, #tpu.memory_space<hbm>> -> memref<1x80x125xi32, #tpu.memory_space<hbm>>
      %dma_wait3A_36 = tpu.memref_squeeze %dma_wait3A_35 : memref<1x80x125xi32, #tpu.memory_space<hbm>> -> memref<80x125xi32, #tpu.memory_space<hbm>>
      %dma_wait3A_37 = arith.constant 0 : i32
      %dma_wait3A_38 = arith.constant 0 : i32
      %dma_wait3A_39 = tpu.memref_slice %arg3[%add3A, %dma_wait3A_37, %dma_wait3A_38] : memref<32x80x125xi32, #tpu.memory_space<hbm>> -> memref<1x80x125xi32, #tpu.memory_space<hbm>>
      %dma_wait3A_40 = tpu.memref_squeeze %dma_wait3A_39 : memref<1x80x125xi32, #tpu.memory_space<hbm>> -> memref<80x125xi32, #tpu.memory_space<hbm>>
      tpu.wait_dma2 semaphore(%run_scoped3A : memref<!tpu.dma_semaphore, #tpu.memory_space<semaphore_mem>>) src(%dma_wait3A_40 : memref<80x125xi32, #tpu.memory_space<hbm>>) dst(%arg6 : memref<80x125xi32, #tpu.memory_space<vmem>>)
      tpu.yield
    }) : () -> ()
    "tpu.region"() ({
      %run_scoped3A = tpu.sem_alloc : memref<!tpu.dma_semaphore, #tpu.memory_space<semaphore_mem>>
      %dma_start3A = arith.constant 0 : i32
      %dma_start3A_27 = arith.constant 0 : i32
      %dma_start3A_28 = tpu.memref_slice %arg4[%add3A, %dma_start3A, %dma_start3A_27] : memref<32x80x125xi32, #tpu.memory_space<hbm>> -> memref<1x80x125xi32, #tpu.memory_space<hbm>>
      %dma_start3A_29 = tpu.memref_squeeze %dma_start3A_28 : memref<1x80x125xi32, #tpu.memory_space<hbm>> -> memref<80x125xi32, #tpu.memory_space<hbm>>
      %dma_start3A_30 = arith.constant 0 : i32
      %dma_start3A_31 = arith.constant 0 : i32
      %dma_start3A_32 = tpu.memref_slice %arg4[%add3A, %dma_start3A_30, %dma_start3A_31] : memref<32x80x125xi32, #tpu.memory_space<hbm>> -> memref<1x80x125xi32, #tpu.memory_space<hbm>>
      %dma_start3A_33 = tpu.memref_squeeze %dma_start3A_32 : memref<1x80x125xi32, #tpu.memory_space<hbm>> -> memref<80x125xi32, #tpu.memory_space<hbm>>
      tpu.enqueue_dma source(%dma_start3A_33 : memref<80x125xi32, #tpu.memory_space<hbm>>) target(%arg7 : memref<80x125xi32, #tpu.memory_space<vmem>>) target_semaphore(%run_scoped3A : memref<!tpu.dma_semaphore, #tpu.memory_space<semaphore_mem>>)
      %dma_wait3A = arith.constant 0 : i32
      %dma_wait3A_34 = arith.constant 0 : i32
      %dma_wait3A_35 = tpu.memref_slice %arg4[%add3A, %dma_wait3A, %dma_wait3A_34] : memref<32x80x125xi32, #tpu.memory_space<hbm>> -> memref<1x80x125xi32, #tpu.memory_space<hbm>>
      %dma_wait3A_36 = tpu.memref_squeeze %dma_wait3A_35 : memref<1x80x125xi32, #tpu.memory_space<hbm>> -> memref<80x125xi32, #tpu.memory_space<hbm>>
      %dma_wait3A_37 = arith.constant 0 : i32
      %dma_wait3A_38 = arith.constant 0 : i32
      %dma_wait3A_39 = tpu.memref_slice %arg4[%add3A, %dma_wait3A_37, %dma_wait3A_38] : memref<32x80x125xi32, #tpu.memory_space<hbm>> -> memref<1x80x125xi32, #tpu.memory_space<hbm>>
      %dma_wait3A_40 = tpu.memref_squeeze %dma_wait3A_39 : memref<1x80x125xi32, #tpu.memory_space<hbm>> -> memref<80x125xi32, #tpu.memory_space<hbm>>
      tpu.wait_dma2 semaphore(%run_scoped3A : memref<!tpu.dma_semaphore, #tpu.memory_space<semaphore_mem>>) src(%dma_wait3A_40 : memref<80x125xi32, #tpu.memory_space<hbm>>) dst(%arg7 : memref<80x125xi32, #tpu.memory_space<vmem>>)
      tpu.yield
    }) : () -> ()
    %scan3A = arith.constant 0 : i32
    %scan3A_1 = arith.constant 0 : i32
    %scan3A_2 = arith.constant 125 : i32
    %scan3A_3 = arith.addi %scan3A_1, %scan3A_2 : i32
    %scan3A_4 = arith.constant 1 : i32
    scf.for %scan3A_27 = %scan3A_1 to %scan3A_3 step %scan3A_4  : i32 {
      %broadcast_in_dim3A = arith.constant 0.000000e+00 : f32
      %broadcast_in_dim3A_28 = vector.broadcast %broadcast_in_dim3A : f32 to vector<16xf32>
      %swap3A = arith.index_cast %scan3A_27 : i32 to index
      %swap3A_29 = arith.constant 0 : index
      %swap3A_30 = tpu.vector_load %arg8[%swap3A, %swap3A_29] {strides = array<i32>} : memref<1000x64xf32, #tpu.memory_space<vmem>>, vector<1x16xf32>,
      %swap3A_31 = vector.shape_cast %swap3A_30 : vector<1x16xf32> to vector<16xf32>
      %swap3A_32 = vector.shape_cast %broadcast_in_dim3A_28 : vector<16xf32> to vector<1x16xf32>
      tpu.vector_store %arg8[%swap3A, %swap3A_29], %swap3A_32 {strides = array<i32>} : memref<1000x64xf32, #tpu.memory_space<vmem>>, vector<1x16xf32>,
      %broadcast_in_dim3A_33 = arith.constant 0.000000e+00 : f32
      %broadcast_in_dim3A_34 = vector.broadcast %broadcast_in_dim3A_33 : f32 to vector<16xf32>
      %swap3A_35 = arith.index_cast %scan3A_27 : i32 to index
      %swap3A_36 = arith.constant 16 : index
      %swap3A_37 = tpu.vector_load %arg8[%swap3A_35, %swap3A_36] {strides = array<i32>} : memref<1000x64xf32, #tpu.memory_space<vmem>>, vector<1x16xf32>,
      %swap3A_38 = vector.shape_cast %swap3A_37 : vector<1x16xf32> to vector<16xf32>
      %swap3A_39 = vector.shape_cast %broadcast_in_dim3A_34 : vector<16xf32> to vector<1x16xf32>
      tpu.vector_store %arg8[%swap3A_35, %swap3A_36], %swap3A_39 {strides = array<i32>} : memref<1000x64xf32, #tpu.memory_space<vmem>>, vector<1x16xf32>,
      %broadcast_in_dim3A_40 = arith.constant 0.000000e+00 : f32
      %broadcast_in_dim3A_41 = vector.broadcast %broadcast_in_dim3A_40 : f32 to vector<16xf32>
      %swap3A_42 = arith.index_cast %scan3A_27 : i32 to index
      %swap3A_43 = arith.constant 32 : index
      %swap3A_44 = tpu.vector_load %arg8[%swap3A_42, %swap3A_43] {strides = array<i32>} : memref<1000x64xf32, #tpu.memory_space<vmem>>, vector<1x16xf32>,
      %swap3A_45 = vector.shape_cast %swap3A_44 : vector<1x16xf32> to vector<16xf32>
      %swap3A_46 = vector.shape_cast %broadcast_in_dim3A_41 : vector<16xf32> to vector<1x16xf32>
      tpu.vector_store %arg8[%swap3A_42, %swap3A_43], %swap3A_46 {strides = array<i32>} : memref<1000x64xf32, #tpu.memory_space<vmem>>, vector<1x16xf32>,
      %broadcast_in_dim3A_47 = arith.constant 0.000000e+00 : f32
      %broadcast_in_dim3A_48 = vector.broadcast %broadcast_in_dim3A_47 : f32 to vector<16xf32>
      %swap3A_49 = arith.index_cast %scan3A_27 : i32 to index
      %swap3A_50 = arith.constant 48 : index
      %swap3A_51 = tpu.vector_load %arg8[%swap3A_49, %swap3A_50] {strides = array<i32>} : memref<1000x64xf32, #tpu.memory_space<vmem>>, vector<1x16xf32>,
      %swap3A_52 = vector.shape_cast %swap3A_51 : vector<1x16xf32> to vector<16xf32>
      %swap3A_53 = vector.shape_cast %broadcast_in_dim3A_48 : vector<16xf32> to vector<1x16xf32>
      tpu.vector_store %arg8[%swap3A_49, %swap3A_50], %swap3A_53 {strides = array<i32>} : memref<1000x64xf32, #tpu.memory_space<vmem>>, vector<1x16xf32>,
    }
    %scan3A_5 = arith.constant 125 : i32
    %mul3A_6 = arith.constant 625 : i32
    %mul3A_7 = arith.muli %arg1, %mul3A_6 : i32
    %add3A_8 = arith.constant 0 : i32
    %add3A_9 = arith.addi %mul3A_7, %add3A_8 : i32
    "tpu.region"() ({
      %run_scoped3A = tpu.sem_alloc : memref<!tpu.dma_semaphore, #tpu.memory_space<semaphore_mem>>
      %dma_start3A = arith.constant 0 : i32
      %dma_start3A_27 = arith.constant 0 : i32
      %dma_start3A_28 = tpu.memref_slice %arg8[%dma_start3A, %dma_start3A_27] : memref<1000x64xf32, #tpu.memory_space<vmem>> -> memref<125x64xf32, #tpu.memory_space<vmem>>
      %dma_start3A_29 = arith.constant 0 : i32
      %dma_start3A_30 = tpu.memref_slice %arg9[%add3A_9, %dma_start3A_29] : memref<10000x64xf32, #tpu.memory_space<vmem_shared>> -> memref<125x64xf32, #tpu.memory_space<vmem_shared>>
      %dma_start3A_31 = arith.constant 0 : i32
      %dma_start3A_32 = tpu.memref_slice %arg9[%add3A_9, %dma_start3A_31] : memref<10000x64xf32, #tpu.memory_space<vmem_shared>> -> memref<125x64xf32, #tpu.memory_space<vmem_shared>>
      %dma_start3A_33 = arith.constant 0 : i32
      %dma_start3A_34 = arith.constant 0 : i32
      %dma_start3A_35 = tpu.memref_slice %arg8[%dma_start3A_33, %dma_start3A_34] : memref<1000x64xf32, #tpu.memory_space<vmem>> -> memref<125x64xf32, #tpu.memory_space<vmem>>
      tpu.enqueue_dma source(%dma_start3A_35 : memref<125x64xf32, #tpu.memory_space<vmem>>) target(%dma_start3A_32 : memref<125x64xf32, #tpu.memory_space<vmem_shared>>) target_semaphore(%run_scoped3A : memref<!tpu.dma_semaphore, #tpu.memory_space<semaphore_mem>>)
      %dma_wait3A = arith.constant 0 : i32
      %dma_wait3A_36 = arith.constant 0 : i32
      %dma_wait3A_37 = tpu.memref_slice %arg8[%dma_wait3A, %dma_wait3A_36] : memref<1000x64xf32, #tpu.memory_space<vmem>> -> memref<125x64xf32, #tpu.memory_space<vmem>>
      %dma_wait3A_38 = arith.constant 0 : i32
      %dma_wait3A_39 = tpu.memref_slice %arg9[%add3A_9, %dma_wait3A_38] : memref<10000x64xf32, #tpu.memory_space<vmem_shared>> -> memref<125x64xf32, #tpu.memory_space<vmem_shared>>
      %dma_wait3A_40 = arith.constant 0 : i32
      %dma_wait3A_41 = tpu.memref_slice %arg9[%add3A_9, %dma_wait3A_40] : memref<10000x64xf32, #tpu.memory_space<vmem_shared>> -> memref<125x64xf32, #tpu.memory_space<vmem_shared>>
      %dma_wait3A_42 = arith.constant 0 : i32
      %dma_wait3A_43 = arith.constant 0 : i32
      %dma_wait3A_44 = tpu.memref_slice %arg8[%dma_wait3A_42, %dma_wait3A_43] : memref<1000x64xf32, #tpu.memory_space<vmem>> -> memref<125x64xf32, #tpu.memory_space<vmem>>
      tpu.wait_dma2 semaphore(%run_scoped3A : memref<!tpu.dma_semaphore, #tpu.memory_space<semaphore_mem>>) src(%dma_wait3A_44 : memref<125x64xf32, #tpu.memory_space<vmem>>) dst(%dma_wait3A_41 : memref<125x64xf32, #tpu.memory_space<vmem_shared>>)
      tpu.yield
    }) : () -> ()
    %add3A_10 = arith.constant 125 : i32
    %add3A_11 = arith.addi %mul3A_7, %add3A_10 : i32
    "tpu.region"() ({
      %run_scoped3A = tpu.sem_alloc : memref<!tpu.dma_semaphore, #tpu.memory_space<semaphore_mem>>
      %dma_start3A = arith.constant 0 : i32
      %dma_start3A_27 = arith.constant 0 : i32
      %dma_start3A_28 = tpu.memref_slice %arg8[%dma_start3A, %dma_start3A_27] : memref<1000x64xf32, #tpu.memory_space<vmem>> -> memref<125x64xf32, #tpu.memory_space<vmem>>
      %dma_start3A_29 = arith.constant 0 : i32
      %dma_start3A_30 = tpu.memref_slice %arg9[%add3A_11, %dma_start3A_29] : memref<10000x64xf32, #tpu.memory_space<vmem_shared>> -> memref<125x64xf32, #tpu.memory_space<vmem_shared>>
      %dma_start3A_31 = arith.constant 0 : i32
      %dma_start3A_32 = tpu.memref_slice %arg9[%add3A_11, %dma_start3A_31] : memref<10000x64xf32, #tpu.memory_space<vmem_shared>> -> memref<125x64xf32, #tpu.memory_space<vmem_shared>>
      %dma_start3A_33 = arith.constant 0 : i32
      %dma_start3A_34 = arith.constant 0 : i32
      %dma_start3A_35 = tpu.memref_slice %arg8[%dma_start3A_33, %dma_start3A_34] : memref<1000x64xf32, #tpu.memory_space<vmem>> -> memref<125x64xf32, #tpu.memory_space<vmem>>
      tpu.enqueue_dma source(%dma_start3A_35 : memref<125x64xf32, #tpu.memory_space<vmem>>) target(%dma_start3A_32 : memref<125x64xf32, #tpu.memory_space<vmem_shared>>) target_semaphore(%run_scoped3A : memref<!tpu.dma_semaphore, #tpu.memory_space<semaphore_mem>>)
      %dma_wait3A = arith.constant 0 : i32
      %dma_wait3A_36 = arith.constant 0 : i32
      %dma_wait3A_37 = tpu.memref_slice %arg8[%dma_wait3A, %dma_wait3A_36] : memref<1000x64xf32, #tpu.memory_space<vmem>> -> memref<125x64xf32, #tpu.memory_space<vmem>>
      %dma_wait3A_38 = arith.constant 0 : i32
      %dma_wait3A_39 = tpu.memref_slice %arg9[%add3A_11, %dma_wait3A_38] : memref<10000x64xf32, #tpu.memory_space<vmem_shared>> -> memref<125x64xf32, #tpu.memory_space<vmem_shared>>
      %dma_wait3A_40 = arith.constant 0 : i32
      %dma_wait3A_41 = tpu.memref_slice %arg9[%add3A_11, %dma_wait3A_40] : memref<10000x64xf32, #tpu.memory_space<vmem_shared>> -> memref<125x64xf32, #tpu.memory_space<vmem_shared>>
      %dma_wait3A_42 = arith.constant 0 : i32
      %dma_wait3A_43 = arith.constant 0 : i32
      %dma_wait3A_44 = tpu.memref_slice %arg8[%dma_wait3A_42, %dma_wait3A_43] : memref<1000x64xf32, #tpu.memory_space<vmem>> -> memref<125x64xf32, #tpu.memory_space<vmem>>
      tpu.wait_dma2 semaphore(%run_scoped3A : memref<!tpu.dma_semaphore, #tpu.memory_space<semaphore_mem>>) src(%dma_wait3A_44 : memref<125x64xf32, #tpu.memory_space<vmem>>) dst(%dma_wait3A_41 : memref<125x64xf32, #tpu.memory_space<vmem_shared>>)
      tpu.yield
    }) : () -> ()
    %add3A_12 = arith.constant 250 : i32
    %add3A_13 = arith.addi %mul3A_7, %add3A_12 : i32
    "tpu.region"() ({
      %run_scoped3A = tpu.sem_alloc : memref<!tpu.dma_semaphore, #tpu.memory_space<semaphore_mem>>
      %dma_start3A = arith.constant 0 : i32
      %dma_start3A_27 = arith.constant 0 : i32
      %dma_start3A_28 = tpu.memref_slice %arg8[%dma_start3A, %dma_start3A_27] : memref<1000x64xf32, #tpu.memory_space<vmem>> -> memref<125x64xf32, #tpu.memory_space<vmem>>
      %dma_start3A_29 = arith.constant 0 : i32
      %dma_start3A_30 = tpu.memref_slice %arg9[%add3A_13, %dma_start3A_29] : memref<10000x64xf32, #tpu.memory_space<vmem_shared>> -> memref<125x64xf32, #tpu.memory_space<vmem_shared>>
      %dma_start3A_31 = arith.constant 0 : i32
      %dma_start3A_32 = tpu.memref_slice %arg9[%add3A_13, %dma_start3A_31] : memref<10000x64xf32, #tpu.memory_space<vmem_shared>> -> memref<125x64xf32, #tpu.memory_space<vmem_shared>>
      %dma_start3A_33 = arith.constant 0 : i32
      %dma_start3A_34 = arith.constant 0 : i32
      %dma_start3A_35 = tpu.memref_slice %arg8[%dma_start3A_33, %dma_start3A_34] : memref<1000x64xf32, #tpu.memory_space<vmem>> -> memref<125x64xf32, #tpu.memory_space<vmem>>
      tpu.enqueue_dma source(%dma_start3A_35 : memref<125x64xf32, #tpu.memory_space<vmem>>) target(%dma_start3A_32 : memref<125x64xf32, #tpu.memory_space<vmem_shared>>) target_semaphore(%run_scoped3A : memref<!tpu.dma_semaphore, #tpu.memory_space<semaphore_mem>>)
      %dma_wait3A = arith.constant 0 : i32
      %dma_wait3A_36 = arith.constant 0 : i32
      %dma_wait3A_37 = tpu.memref_slice %arg8[%dma_wait3A, %dma_wait3A_36] : memref<1000x64xf32, #tpu.memory_space<vmem>> -> memref<125x64xf32, #tpu.memory_space<vmem>>
      %dma_wait3A_38 = arith.constant 0 : i32
      %dma_wait3A_39 = tpu.memref_slice %arg9[%add3A_13, %dma_wait3A_38] : memref<10000x64xf32, #tpu.memory_space<vmem_shared>> -> memref<125x64xf32, #tpu.memory_space<vmem_shared>>
      %dma_wait3A_40 = arith.constant 0 : i32
      %dma_wait3A_41 = tpu.memref_slice %arg9[%add3A_13, %dma_wait3A_40] : memref<10000x64xf32, #tpu.memory_space<vmem_shared>> -> memref<125x64xf32, #tpu.memory_space<vmem_shared>>
      %dma_wait3A_42 = arith.constant 0 : i32
      %dma_wait3A_43 = arith.constant 0 : i32
      %dma_wait3A_44 = tpu.memref_slice %arg8[%dma_wait3A_42, %dma_wait3A_43] : memref<1000x64xf32, #tpu.memory_space<vmem>> -> memref<125x64xf32, #tpu.memory_space<vmem>>
      tpu.wait_dma2 semaphore(%run_scoped3A : memref<!tpu.dma_semaphore, #tpu.memory_space<semaphore_mem>>) src(%dma_wait3A_44 : memref<125x64xf32, #tpu.memory_space<vmem>>) dst(%dma_wait3A_41 : memref<125x64xf32, #tpu.memory_space<vmem_shared>>)
      tpu.yield
    }) : () -> ()
    %add3A_14 = arith.constant 375 : i32
    %add3A_15 = arith.addi %mul3A_7, %add3A_14 : i32
    "tpu.region"() ({
      %run_scoped3A = tpu.sem_alloc : memref<!tpu.dma_semaphore, #tpu.memory_space<semaphore_mem>>
      %dma_start3A = arith.constant 0 : i32
      %dma_start3A_27 = arith.constant 0 : i32
      %dma_start3A_28 = tpu.memref_slice %arg8[%dma_start3A, %dma_start3A_27] : memref<1000x64xf32, #tpu.memory_space<vmem>> -> memref<125x64xf32, #tpu.memory_space<vmem>>
      %dma_start3A_29 = arith.constant 0 : i32
      %dma_start3A_30 = tpu.memref_slice %arg9[%add3A_15, %dma_start3A_29] : memref<10000x64xf32, #tpu.memory_space<vmem_shared>> -> memref<125x64xf32, #tpu.memory_space<vmem_shared>>
      %dma_start3A_31 = arith.constant 0 : i32
      %dma_start3A_32 = tpu.memref_slice %arg9[%add3A_15, %dma_start3A_31] : memref<10000x64xf32, #tpu.memory_space<vmem_shared>> -> memref<125x64xf32, #tpu.memory_space<vmem_shared>>
      %dma_start3A_33 = arith.constant 0 : i32
      %dma_start3A_34 = arith.constant 0 : i32
      %dma_start3A_35 = tpu.memref_slice %arg8[%dma_start3A_33, %dma_start3A_34] : memref<1000x64xf32, #tpu.memory_space<vmem>> -> memref<125x64xf32, #tpu.memory_space<vmem>>
      tpu.enqueue_dma source(%dma_start3A_35 : memref<125x64xf32, #tpu.memory_space<vmem>>) target(%dma_start3A_32 : memref<125x64xf32, #tpu.memory_space<vmem_shared>>) target_semaphore(%run_scoped3A : memref<!tpu.dma_semaphore, #tpu.memory_space<semaphore_mem>>)
      %dma_wait3A = arith.constant 0 : i32
      %dma_wait3A_36 = arith.constant 0 : i32
      %dma_wait3A_37 = tpu.memref_slice %arg8[%dma_wait3A, %dma_wait3A_36] : memref<1000x64xf32, #tpu.memory_space<vmem>> -> memref<125x64xf32, #tpu.memory_space<vmem>>
      %dma_wait3A_38 = arith.constant 0 : i32
      %dma_wait3A_39 = tpu.memref_slice %arg9[%add3A_15, %dma_wait3A_38] : memref<10000x64xf32, #tpu.memory_space<vmem_shared>> -> memref<125x64xf32, #tpu.memory_space<vmem_shared>>
      %dma_wait3A_40 = arith.constant 0 : i32
      %dma_wait3A_41 = tpu.memref_slice %arg9[%add3A_15, %dma_wait3A_40] : memref<10000x64xf32, #tpu.memory_space<vmem_shared>> -> memref<125x64xf32, #tpu.memory_space<vmem_shared>>
      %dma_wait3A_42 = arith.constant 0 : i32
      %dma_wait3A_43 = arith.constant 0 : i32
      %dma_wait3A_44 = tpu.memref_slice %arg8[%dma_wait3A_42, %dma_wait3A_43] : memref<1000x64xf32, #tpu.memory_space<vmem>> -> memref<125x64xf32, #tpu.memory_space<vmem>>
      tpu.wait_dma2 semaphore(%run_scoped3A : memref<!tpu.dma_semaphore, #tpu.memory_space<semaphore_mem>>) src(%dma_wait3A_44 : memref<125x64xf32, #tpu.memory_space<vmem>>) dst(%dma_wait3A_41 : memref<125x64xf32, #tpu.memory_space<vmem_shared>>)
      tpu.yield
    }) : () -> ()
    %add3A_16 = arith.constant 500 : i32
    %add3A_17 = arith.addi %mul3A_7, %add3A_16 : i32
    "tpu.region"() ({
      %run_scoped3A = tpu.sem_alloc : memref<!tpu.dma_semaphore, #tpu.memory_space<semaphore_mem>>
      %dma_start3A = arith.constant 0 : i32
      %dma_start3A_27 = arith.constant 0 : i32
      %dma_start3A_28 = tpu.memref_slice %arg8[%dma_start3A, %dma_start3A_27] : memref<1000x64xf32, #tpu.memory_space<vmem>> -> memref<125x64xf32, #tpu.memory_space<vmem>>
      %dma_start3A_29 = arith.constant 0 : i32
      %dma_start3A_30 = tpu.memref_slice %arg9[%add3A_17, %dma_start3A_29] : memref<10000x64xf32, #tpu.memory_space<vmem_shared>> -> memref<125x64xf32, #tpu.memory_space<vmem_shared>>
      %dma_start3A_31 = arith.constant 0 : i32
      %dma_start3A_32 = tpu.memref_slice %arg9[%add3A_17, %dma_start3A_31] : memref<10000x64xf32, #tpu.memory_space<vmem_shared>> -> memref<125x64xf32, #tpu.memory_space<vmem_shared>>
      %dma_start3A_33 = arith.constant 0 : i32
      %dma_start3A_34 = arith.constant 0 : i32
      %dma_start3A_35 = tpu.memref_slice %arg8[%dma_start3A_33, %dma_start3A_34] : memref<1000x64xf32, #tpu.memory_space<vmem>> -> memref<125x64xf32, #tpu.memory_space<vmem>>
      tpu.enqueue_dma source(%dma_start3A_35 : memref<125x64xf32, #tpu.memory_space<vmem>>) target(%dma_start3A_32 : memref<125x64xf32, #tpu.memory_space<vmem_shared>>) target_semaphore(%run_scoped3A : memref<!tpu.dma_semaphore, #tpu.memory_space<semaphore_mem>>)
      %dma_wait3A = arith.constant 0 : i32
      %dma_wait3A_36 = arith.constant 0 : i32
      %dma_wait3A_37 = tpu.memref_slice %arg8[%dma_wait3A, %dma_wait3A_36] : memref<1000x64xf32, #tpu.memory_space<vmem>> -> memref<125x64xf32, #tpu.memory_space<vmem>>
      %dma_wait3A_38 = arith.constant 0 : i32
      %dma_wait3A_39 = tpu.memref_slice %arg9[%add3A_17, %dma_wait3A_38] : memref<10000x64xf32, #tpu.memory_space<vmem_shared>> -> memref<125x64xf32, #tpu.memory_space<vmem_shared>>
      %dma_wait3A_40 = arith.constant 0 : i32
      %dma_wait3A_41 = tpu.memref_slice %arg9[%add3A_17, %dma_wait3A_40] : memref<10000x64xf32, #tpu.memory_space<vmem_shared>> -> memref<125x64xf32, #tpu.memory_space<vmem_shared>>
      %dma_wait3A_42 = arith.constant 0 : i32
      %dma_wait3A_43 = arith.constant 0 : i32
      %dma_wait3A_44 = tpu.memref_slice %arg8[%dma_wait3A_42, %dma_wait3A_43] : memref<1000x64xf32, #tpu.memory_space<vmem>> -> memref<125x64xf32, #tpu.memory_space<vmem>>
      tpu.wait_dma2 semaphore(%run_scoped3A : memref<!tpu.dma_semaphore, #tpu.memory_space<semaphore_mem>>) src(%dma_wait3A_44 : memref<125x64xf32, #tpu.memory_space<vmem>>) dst(%dma_wait3A_41 : memref<125x64xf32, #tpu.memory_space<vmem_shared>>)
      tpu.yield
    }) : () -> ()
    %barrier3A = arith.constant 0 : index
    tpu.barrier barrier_id(%barrier3A)
    %scan3A_18 = arith.constant 0 : i32
    %scan3A_19 = arith.constant 0 : i32
    %scan3A_20 = arith.constant 10 : i32
    %scan3A_21 = arith.addi %scan3A_19, %scan3A_20 : i32
    %scan3A_22 = arith.constant 1 : i32
    scf.for %scan3A_27 = %scan3A_19 to %scan3A_21 step %scan3A_22  : i32 {
      %mul3A_28 = arith.constant 8 : i32
      %mul3A_29 = arith.muli %scan3A_27, %mul3A_28 : i32
      %add3A_30 = arith.constant 0 : i32
      %add3A_31 = arith.addi %mul3A_29, %add3A_30 : i32
      %dma_start3A = arith.constant 0 : i32
      %dma_start3A_32 = arith.constant 0 : i32
      %dma_start3A_33 = arith.constant 0 : i32
      %dma_start3A_34 = tpu.memref_slice %arg8[%dma_start3A_32, %dma_start3A_33] : memref<1000x64xf32, #tpu.memory_space<vmem>> -> memref<125x64xf32, #tpu.memory_space<vmem>>
      %dma_start3A_35 = arith.constant 0 : i32
      %dma_start3A_36 = tpu.memref_slice %arg6[%add3A_31, %dma_start3A_35] : memref<80x125xi32, #tpu.memory_space<vmem>> -> memref<1x125xi32, #tpu.memory_space<vmem>>
      %dma_start3A_37 = tpu.memref_squeeze %dma_start3A_36 : memref<1x125xi32, #tpu.memory_space<vmem>> -> memref<125xi32, #tpu.memory_space<vmem>>
      %dma_start3A_38 = arith.constant 0 : i32
      %dma_start3A_39 = arith.constant 0 : i32
      %dma_start3A_40 = tpu.memref_slice %arg2[%dma_start3A_38, %dma_start3A_39] : memref<10000x64xf32, #tpu.memory_space<hbm>> -> memref<10000x64xf32, #tpu.memory_space<hbm>>
      %dma_start3A_41 = tpu.memref_slice %arg10[%dma_start3A] : memref<8x!tpu.dma_semaphore, #tpu.memory_space<semaphore_mem>> -> memref<1x!tpu.dma_semaphore, #tpu.memory_space<semaphore_mem>>
      %dma_start3A_42 = tpu.memref_squeeze %dma_start3A_41 : memref<1x!tpu.dma_semaphore, #tpu.memory_space<semaphore_mem>> -> memref<!tpu.dma_semaphore, #tpu.memory_space<semaphore_mem>>
      tpu.enqueue_indirect_dma source(%dma_start3A_40 : memref<10000x64xf32, #tpu.memory_space<hbm>>) target(%dma_start3A_34 : memref<125x64xf32, #tpu.memory_space<vmem>>) offsets(%dma_start3A_37 : memref<125xi32, #tpu.memory_space<vmem>>) semaphore(%dma_start3A_42 : memref<!tpu.dma_semaphore, #tpu.memory_space<semaphore_mem>>)
      %add3A_43 = arith.constant 1 : i32
      %add3A_44 = arith.addi %mul3A_29, %add3A_43 : i32
      %dma_start3A_45 = arith.constant 1 : i32
      %dma_start3A_46 = arith.constant 125 : i32
      %dma_start3A_47 = arith.constant 0 : i32
      %dma_start3A_48 = tpu.memref_slice %arg8[%dma_start3A_46, %dma_start3A_47] : memref<1000x64xf32, #tpu.memory_space<vmem>> -> memref<125x64xf32, #tpu.memory_space<vmem>>
      %dma_start3A_49 = arith.constant 0 : i32
      %dma_start3A_50 = tpu.memref_slice %arg6[%add3A_44, %dma_start3A_49] : memref<80x125xi32, #tpu.memory_space<vmem>> -> memref<1x125xi32, #tpu.memory_space<vmem>>
      %dma_start3A_51 = tpu.memref_squeeze %dma_start3A_50 : memref<1x125xi32, #tpu.memory_space<vmem>> -> memref<125xi32, #tpu.memory_space<vmem>>
      %dma_start3A_52 = arith.constant 0 : i32
      %dma_start3A_53 = arith.constant 0 : i32
      %dma_start3A_54 = tpu.memref_slice %arg2[%dma_start3A_52, %dma_start3A_53] : memref<10000x64xf32, #tpu.memory_space<hbm>> -> memref<10000x64xf32, #tpu.memory_space<hbm>>
      %dma_start3A_55 = tpu.memref_slice %arg10[%dma_start3A_45] : memref<8x!tpu.dma_semaphore, #tpu.memory_space<semaphore_mem>> -> memref<1x!tpu.dma_semaphore, #tpu.memory_space<semaphore_mem>>
      %dma_start3A_56 = tpu.memref_squeeze %dma_start3A_55 : memref<1x!tpu.dma_semaphore, #tpu.memory_space<semaphore_mem>> -> memref<!tpu.dma_semaphore, #tpu.memory_space<semaphore_mem>>
      tpu.enqueue_indirect_dma source(%dma_start3A_54 : memref<10000x64xf32, #tpu.memory_space<hbm>>) target(%dma_start3A_48 : memref<125x64xf32, #tpu.memory_space<vmem>>) offsets(%dma_start3A_51 : memref<125xi32, #tpu.memory_space<vmem>>) semaphore(%dma_start3A_56 : memref<!tpu.dma_semaphore, #tpu.memory_space<semaphore_mem>>)
      %add3A_57 = arith.constant 2 : i32
      %add3A_58 = arith.addi %mul3A_29, %add3A_57 : i32
      %dma_start3A_59 = arith.constant 2 : i32
      %dma_start3A_60 = arith.constant 250 : i32
      %dma_start3A_61 = arith.constant 0 : i32
      %dma_start3A_62 = tpu.memref_slice %arg8[%dma_start3A_60, %dma_start3A_61] : memref<1000x64xf32, #tpu.memory_space<vmem>> -> memref<125x64xf32, #tpu.memory_space<vmem>>
      %dma_start3A_63 = arith.constant 0 : i32
      %dma_start3A_64 = tpu.memref_slice %arg6[%add3A_58, %dma_start3A_63] : memref<80x125xi32, #tpu.memory_space<vmem>> -> memref<1x125xi32, #tpu.memory_space<vmem>>
      %dma_start3A_65 = tpu.memref_squeeze %dma_start3A_64 : memref<1x125xi32, #tpu.memory_space<vmem>> -> memref<125xi32, #tpu.memory_space<vmem>>
      %dma_start3A_66 = arith.constant 0 : i32
      %dma_start3A_67 = arith.constant 0 : i32
      %dma_start3A_68 = tpu.memref_slice %arg2[%dma_start3A_66, %dma_start3A_67] : memref<10000x64xf32, #tpu.memory_space<hbm>> -> memref<10000x64xf32, #tpu.memory_space<hbm>>
      %dma_start3A_69 = tpu.memref_slice %arg10[%dma_start3A_59] : memref<8x!tpu.dma_semaphore, #tpu.memory_space<semaphore_mem>> -> memref<1x!tpu.dma_semaphore, #tpu.memory_space<semaphore_mem>>
      %dma_start3A_70 = tpu.memref_squeeze %dma_start3A_69 : memref<1x!tpu.dma_semaphore, #tpu.memory_space<semaphore_mem>> -> memref<!tpu.dma_semaphore, #tpu.memory_space<semaphore_mem>>
      tpu.enqueue_indirect_dma source(%dma_start3A_68 : memref<10000x64xf32, #tpu.memory_space<hbm>>) target(%dma_start3A_62 : memref<125x64xf32, #tpu.memory_space<vmem>>) offsets(%dma_start3A_65 : memref<125xi32, #tpu.memory_space<vmem>>) semaphore(%dma_start3A_70 : memref<!tpu.dma_semaphore, #tpu.memory_space<semaphore_mem>>)
      %add3A_71 = arith.constant 3 : i32
      %add3A_72 = arith.addi %mul3A_29, %add3A_71 : i32
      %dma_start3A_73 = arith.constant 3 : i32
      %dma_start3A_74 = arith.constant 375 : i32
      %dma_start3A_75 = arith.constant 0 : i32
      %dma_start3A_76 = tpu.memref_slice %arg8[%dma_start3A_74, %dma_start3A_75] : memref<1000x64xf32, #tpu.memory_space<vmem>> -> memref<125x64xf32, #tpu.memory_space<vmem>>
      %dma_start3A_77 = arith.constant 0 : i32
      %dma_start3A_78 = tpu.memref_slice %arg6[%add3A_72, %dma_start3A_77] : memref<80x125xi32, #tpu.memory_space<vmem>> -> memref<1x125xi32, #tpu.memory_space<vmem>>
      %dma_start3A_79 = tpu.memref_squeeze %dma_start3A_78 : memref<1x125xi32, #tpu.memory_space<vmem>> -> memref<125xi32, #tpu.memory_space<vmem>>
      %dma_start3A_80 = arith.constant 0 : i32
      %dma_start3A_81 = arith.constant 0 : i32
      %dma_start3A_82 = tpu.memref_slice %arg2[%dma_start3A_80, %dma_start3A_81] : memref<10000x64xf32, #tpu.memory_space<hbm>> -> memref<10000x64xf32, #tpu.memory_space<hbm>>
      %dma_start3A_83 = tpu.memref_slice %arg10[%dma_start3A_73] : memref<8x!tpu.dma_semaphore, #tpu.memory_space<semaphore_mem>> -> memref<1x!tpu.dma_semaphore, #tpu.memory_space<semaphore_mem>>
      %dma_start3A_84 = tpu.memref_squeeze %dma_start3A_83 : memref<1x!tpu.dma_semaphore, #tpu.memory_space<semaphore_mem>> -> memref<!tpu.dma_semaphore, #tpu.memory_space<semaphore_mem>>
      tpu.enqueue_indirect_dma source(%dma_start3A_82 : memref<10000x64xf32, #tpu.memory_space<hbm>>) target(%dma_start3A_76 : memref<125x64xf32, #tpu.memory_space<vmem>>) offsets(%dma_start3A_79 : memref<125xi32, #tpu.memory_space<vmem>>) semaphore(%dma_start3A_84 : memref<!tpu.dma_semaphore, #tpu.memory_space<semaphore_mem>>)
      %add3A_85 = arith.constant 4 : i32
      %add3A_86 = arith.addi %mul3A_29, %add3A_85 : i32
      %dma_start3A_87 = arith.constant 4 : i32
      %dma_start3A_88 = arith.constant 500 : i32
      %dma_start3A_89 = arith.constant 0 : i32
      %dma_start3A_90 = tpu.memref_slice %arg8[%dma_start3A_88, %dma_start3A_89] : memref<1000x64xf32, #tpu.memory_space<vmem>> -> memref<125x64xf32, #tpu.memory_space<vmem>>
      %dma_start3A_91 = arith.constant 0 : i32
      %dma_start3A_92 = tpu.memref_slice %arg6[%add3A_86, %dma_start3A_91] : memref<80x125xi32, #tpu.memory_space<vmem>> -> memref<1x125xi32, #tpu.memory_space<vmem>>
      %dma_start3A_93 = tpu.memref_squeeze %dma_start3A_92 : memref<1x125xi32, #tpu.memory_space<vmem>> -> memref<125xi32, #tpu.memory_space<vmem>>
      %dma_start3A_94 = arith.constant 0 : i32
      %dma_start3A_95 = arith.constant 0 : i32
      %dma_start3A_96 = tpu.memref_slice %arg2[%dma_start3A_94, %dma_start3A_95] : memref<10000x64xf32, #tpu.memory_space<hbm>> -> memref<10000x64xf32, #tpu.memory_space<hbm>>
      %dma_start3A_97 = tpu.memref_slice %arg10[%dma_start3A_87] : memref<8x!tpu.dma_semaphore, #tpu.memory_space<semaphore_mem>> -> memref<1x!tpu.dma_semaphore, #tpu.memory_space<semaphore_mem>>
      %dma_start3A_98 = tpu.memref_squeeze %dma_start3A_97 : memref<1x!tpu.dma_semaphore, #tpu.memory_space<semaphore_mem>> -> memref<!tpu.dma_semaphore, #tpu.memory_space<semaphore_mem>>
      tpu.enqueue_indirect_dma source(%dma_start3A_96 : memref<10000x64xf32, #tpu.memory_space<hbm>>) target(%dma_start3A_90 : memref<125x64xf32, #tpu.memory_space<vmem>>) offsets(%dma_start3A_93 : memref<125xi32, #tpu.memory_space<vmem>>) semaphore(%dma_start3A_98 : memref<!tpu.dma_semaphore, #tpu.memory_space<semaphore_mem>>)
      %add3A_99 = arith.constant 5 : i32
      %add3A_100 = arith.addi %mul3A_29, %add3A_99 : i32
      %dma_start3A_101 = arith.constant 5 : i32
      %dma_start3A_102 = arith.constant 625 : i32
      %dma_start3A_103 = arith.constant 0 : i32
      %dma_start3A_104 = tpu.memref_slice %arg8[%dma_start3A_102, %dma_start3A_103] : memref<1000x64xf32, #tpu.memory_space<vmem>> -> memref<125x64xf32, #tpu.memory_space<vmem>>
      %dma_start3A_105 = arith.constant 0 : i32
      %dma_start3A_106 = tpu.memref_slice %arg6[%add3A_100, %dma_start3A_105] : memref<80x125xi32, #tpu.memory_space<vmem>> -> memref<1x125xi32, #tpu.memory_space<vmem>>
      %dma_start3A_107 = tpu.memref_squeeze %dma_start3A_106 : memref<1x125xi32, #tpu.memory_space<vmem>> -> memref<125xi32, #tpu.memory_space<vmem>>
      %dma_start3A_108 = arith.constant 0 : i32
      %dma_start3A_109 = arith.constant 0 : i32
      %dma_start3A_110 = tpu.memref_slice %arg2[%dma_start3A_108, %dma_start3A_109] : memref<10000x64xf32, #tpu.memory_space<hbm>> -> memref<10000x64xf32, #tpu.memory_space<hbm>>
      %dma_start3A_111 = tpu.memref_slice %arg10[%dma_start3A_101] : memref<8x!tpu.dma_semaphore, #tpu.memory_space<semaphore_mem>> -> memref<1x!tpu.dma_semaphore, #tpu.memory_space<semaphore_mem>>
      %dma_start3A_112 = tpu.memref_squeeze %dma_start3A_111 : memref<1x!tpu.dma_semaphore, #tpu.memory_space<semaphore_mem>> -> memref<!tpu.dma_semaphore, #tpu.memory_space<semaphore_mem>>
      tpu.enqueue_indirect_dma source(%dma_start3A_110 : memref<10000x64xf32, #tpu.memory_space<hbm>>) target(%dma_start3A_104 : memref<125x64xf32, #tpu.memory_space<vmem>>) offsets(%dma_start3A_107 : memref<125xi32, #tpu.memory_space<vmem>>) semaphore(%dma_start3A_112 : memref<!tpu.dma_semaphore, #tpu.memory_space<semaphore_mem>>)
      %add3A_113 = arith.constant 6 : i32
      %add3A_114 = arith.addi %mul3A_29, %add3A_113 : i32
      %dma_start3A_115 = arith.constant 6 : i32
      %dma_start3A_116 = arith.constant 750 : i32
      %dma_start3A_117 = arith.constant 0 : i32
      %dma_start3A_118 = tpu.memref_slice %arg8[%dma_start3A_116, %dma_start3A_117] : memref<1000x64xf32, #tpu.memory_space<vmem>> -> memref<125x64xf32, #tpu.memory_space<vmem>>
      %dma_start3A_119 = arith.constant 0 : i32
      %dma_start3A_120 = tpu.memref_slice %arg6[%add3A_114, %dma_start3A_119] : memref<80x125xi32, #tpu.memory_space<vmem>> -> memref<1x125xi32, #tpu.memory_space<vmem>>
      %dma_start3A_121 = tpu.memref_squeeze %dma_start3A_120 : memref<1x125xi32, #tpu.memory_space<vmem>> -> memref<125xi32, #tpu.memory_space<vmem>>
      %dma_start3A_122 = arith.constant 0 : i32
      %dma_start3A_123 = arith.constant 0 : i32
      %dma_start3A_124 = tpu.memref_slice %arg2[%dma_start3A_122, %dma_start3A_123] : memref<10000x64xf32, #tpu.memory_space<hbm>> -> memref<10000x64xf32, #tpu.memory_space<hbm>>
      %dma_start3A_125 = tpu.memref_slice %arg10[%dma_start3A_115] : memref<8x!tpu.dma_semaphore, #tpu.memory_space<semaphore_mem>> -> memref<1x!tpu.dma_semaphore, #tpu.memory_space<semaphore_mem>>
      %dma_start3A_126 = tpu.memref_squeeze %dma_start3A_125 : memref<1x!tpu.dma_semaphore, #tpu.memory_space<semaphore_mem>> -> memref<!tpu.dma_semaphore, #tpu.memory_space<semaphore_mem>>
      tpu.enqueue_indirect_dma source(%dma_start3A_124 : memref<10000x64xf32, #tpu.memory_space<hbm>>) target(%dma_start3A_118 : memref<125x64xf32, #tpu.memory_space<vmem>>) offsets(%dma_start3A_121 : memref<125xi32, #tpu.memory_space<vmem>>) semaphore(%dma_start3A_126 : memref<!tpu.dma_semaphore, #tpu.memory_space<semaphore_mem>>)
      %add3A_127 = arith.constant 7 : i32
      %add3A_128 = arith.addi %mul3A_29, %add3A_127 : i32
      %dma_start3A_129 = arith.constant 7 : i32
      %dma_start3A_130 = arith.constant 875 : i32
      %dma_start3A_131 = arith.constant 0 : i32
      %dma_start3A_132 = tpu.memref_slice %arg8[%dma_start3A_130, %dma_start3A_131] : memref<1000x64xf32, #tpu.memory_space<vmem>> -> memref<125x64xf32, #tpu.memory_space<vmem>>
      %dma_start3A_133 = arith.constant 0 : i32
      %dma_start3A_134 = tpu.memref_slice %arg6[%add3A_128, %dma_start3A_133] : memref<80x125xi32, #tpu.memory_space<vmem>> -> memref<1x125xi32, #tpu.memory_space<vmem>>
      %dma_start3A_135 = tpu.memref_squeeze %dma_start3A_134 : memref<1x125xi32, #tpu.memory_space<vmem>> -> memref<125xi32, #tpu.memory_space<vmem>>
      %dma_start3A_136 = arith.constant 0 : i32
      %dma_start3A_137 = arith.constant 0 : i32
      %dma_start3A_138 = tpu.memref_slice %arg2[%dma_start3A_136, %dma_start3A_137] : memref<10000x64xf32, #tpu.memory_space<hbm>> -> memref<10000x64xf32, #tpu.memory_space<hbm>>
      %dma_start3A_139 = tpu.memref_slice %arg10[%dma_start3A_129] : memref<8x!tpu.dma_semaphore, #tpu.memory_space<semaphore_mem>> -> memref<1x!tpu.dma_semaphore, #tpu.memory_space<semaphore_mem>>
      %dma_start3A_140 = tpu.memref_squeeze %dma_start3A_139 : memref<1x!tpu.dma_semaphore, #tpu.memory_space<semaphore_mem>> -> memref<!tpu.dma_semaphore, #tpu.memory_space<semaphore_mem>>
      tpu.enqueue_indirect_dma source(%dma_start3A_138 : memref<10000x64xf32, #tpu.memory_space<hbm>>) target(%dma_start3A_132 : memref<125x64xf32, #tpu.memory_space<vmem>>) offsets(%dma_start3A_135 : memref<125xi32, #tpu.memory_space<vmem>>) semaphore(%dma_start3A_140 : memref<!tpu.dma_semaphore, #tpu.memory_space<semaphore_mem>>)
      %dma_wait3A = arith.constant 0 : i32
      %dma_wait3A_141 = arith.constant 0 : i32
      %dma_wait3A_142 = arith.constant 0 : i32
      %dma_wait3A_143 = tpu.memref_slice %arg8[%dma_wait3A_141, %dma_wait3A_142] : memref<1000x64xf32, #tpu.memory_space<vmem>> -> memref<125x64xf32, #tpu.memory_space<vmem>>
      %dma_wait3A_144 = arith.constant 0 : i32
      %dma_wait3A_145 = tpu.memref_slice %arg6[%add3A_31, %dma_wait3A_144] : memref<80x125xi32, #tpu.memory_space<vmem>> -> memref<1x125xi32, #tpu.memory_space<vmem>>
      %dma_wait3A_146 = tpu.memref_squeeze %dma_wait3A_145 : memref<1x125xi32, #tpu.memory_space<vmem>> -> memref<125xi32, #tpu.memory_space<vmem>>
      %dma_wait3A_147 = arith.constant 0 : i32
      %dma_wait3A_148 = arith.constant 0 : i32
      %dma_wait3A_149 = tpu.memref_slice %arg2[%dma_wait3A_147, %dma_wait3A_148] : memref<10000x64xf32, #tpu.memory_space<hbm>> -> memref<10000x64xf32, #tpu.memory_space<hbm>>
      %dma_wait3A_150 = tpu.memref_slice %arg10[%dma_wait3A] : memref<8x!tpu.dma_semaphore, #tpu.memory_space<semaphore_mem>> -> memref<1x!tpu.dma_semaphore, #tpu.memory_space<semaphore_mem>>
      %dma_wait3A_151 = tpu.memref_squeeze %dma_wait3A_150 : memref<1x!tpu.dma_semaphore, #tpu.memory_space<semaphore_mem>> -> memref<!tpu.dma_semaphore, #tpu.memory_space<semaphore_mem>>
      tpu.wait_indirect_dma semaphore(%dma_wait3A_151 : memref<!tpu.dma_semaphore, #tpu.memory_space<semaphore_mem>>) src(%dma_wait3A_149 : memref<10000x64xf32, #tpu.memory_space<hbm>>) dst(%dma_wait3A_143 : memref<125x64xf32, #tpu.memory_space<vmem>>)
      %add3A_152 = arith.constant 0 : i32
      %add3A_153 = arith.addi %mul3A_29, %add3A_152 : i32
      %dma_start3A_154 = arith.constant 0 : i32
      %dma_start3A_155 = arith.constant 0 : i32
      %dma_start3A_156 = arith.constant 0 : i32
      %dma_start3A_157 = tpu.memref_slice %arg8[%dma_start3A_155, %dma_start3A_156] : memref<1000x64xf32, #tpu.memory_space<vmem>> -> memref<125x64xf32, #tpu.memory_space<vmem>>
      %dma_start3A_158 = arith.constant 0 : i32
      %dma_start3A_159 = tpu.memref_slice %arg7[%add3A_153, %dma_start3A_158] : memref<80x125xi32, #tpu.memory_space<vmem>> -> memref<1x125xi32, #tpu.memory_space<vmem>>
      %dma_start3A_160 = tpu.memref_squeeze %dma_start3A_159 : memref<1x125xi32, #tpu.memory_space<vmem>> -> memref<125xi32, #tpu.memory_space<vmem>>
      %dma_start3A_161 = arith.constant 0 : i32
      %dma_start3A_162 = arith.constant 0 : i32
      %dma_start3A_163 = tpu.memref_slice %arg9[%dma_start3A_161, %dma_start3A_162] : memref<10000x64xf32, #tpu.memory_space<vmem_shared>> -> memref<10000x64xf32, #tpu.memory_space<vmem_shared>>
      %dma_start3A_164 = tpu.memref_slice %arg11[%dma_start3A_154] : memref<8x!tpu.dma_semaphore, #tpu.memory_space<semaphore_mem>> -> memref<1x!tpu.dma_semaphore, #tpu.memory_space<semaphore_mem>>
      %dma_start3A_165 = tpu.memref_squeeze %dma_start3A_164 : memref<1x!tpu.dma_semaphore, #tpu.memory_space<semaphore_mem>> -> memref<!tpu.dma_semaphore, #tpu.memory_space<semaphore_mem>>
      tpu.enqueue_indirect_dma source(%dma_start3A_157 : memref<125x64xf32, #tpu.memory_space<vmem>>) target(%dma_start3A_163 : memref<10000x64xf32, #tpu.memory_space<vmem_shared>>) offsets(%dma_start3A_160 : memref<125xi32, #tpu.memory_space<vmem>>) semaphore(%dma_start3A_165 : memref<!tpu.dma_semaphore, #tpu.memory_space<semaphore_mem>>) {add = true}
      %dma_wait3A_166 = arith.constant 1 : i32
      %dma_wait3A_167 = arith.constant 125 : i32
      %dma_wait3A_168 = arith.constant 0 : i32
      %dma_wait3A_169 = tpu.memref_slice %arg8[%dma_wait3A_167, %dma_wait3A_168] : memref<1000x64xf32, #tpu.memory_space<vmem>> -> memref<125x64xf32, #tpu.memory_space<vmem>>
      %dma_wait3A_170 = arith.constant 0 : i32
      %dma_wait3A_171 = tpu.memref_slice %arg6[%add3A_44, %dma_wait3A_170] : memref<80x125xi32, #tpu.memory_space<vmem>> -> memref<1x125xi32, #tpu.memory_space<vmem>>
      %dma_wait3A_172 = tpu.memref_squeeze %dma_wait3A_171 : memref<1x125xi32, #tpu.memory_space<vmem>> -> memref<125xi32, #tpu.memory_space<vmem>>
      %dma_wait3A_173 = arith.constant 0 : i32
      %dma_wait3A_174 = arith.constant 0 : i32
      %dma_wait3A_175 = tpu.memref_slice %arg2[%dma_wait3A_173, %dma_wait3A_174] : memref<10000x64xf32, #tpu.memory_space<hbm>> -> memref<10000x64xf32, #tpu.memory_space<hbm>>
      %dma_wait3A_176 = tpu.memref_slice %arg10[%dma_wait3A_166] : memref<8x!tpu.dma_semaphore, #tpu.memory_space<semaphore_mem>> -> memref<1x!tpu.dma_semaphore, #tpu.memory_space<semaphore_mem>>
      %dma_wait3A_177 = tpu.memref_squeeze %dma_wait3A_176 : memref<1x!tpu.dma_semaphore, #tpu.memory_space<semaphore_mem>> -> memref<!tpu.dma_semaphore, #tpu.memory_space<semaphore_mem>>
      tpu.wait_indirect_dma semaphore(%dma_wait3A_177 : memref<!tpu.dma_semaphore, #tpu.memory_space<semaphore_mem>>) src(%dma_wait3A_175 : memref<10000x64xf32, #tpu.memory_space<hbm>>) dst(%dma_wait3A_169 : memref<125x64xf32, #tpu.memory_space<vmem>>)
      %add3A_178 = arith.constant 1 : i32
      %add3A_179 = arith.addi %mul3A_29, %add3A_178 : i32
      %dma_start3A_180 = arith.constant 1 : i32
      %dma_start3A_181 = arith.constant 125 : i32
      %dma_start3A_182 = arith.constant 0 : i32
      %dma_start3A_183 = tpu.memref_slice %arg8[%dma_start3A_181, %dma_start3A_182] : memref<1000x64xf32, #tpu.memory_space<vmem>> -> memref<125x64xf32, #tpu.memory_space<vmem>>
      %dma_start3A_184 = arith.constant 0 : i32
      %dma_start3A_185 = tpu.memref_slice %arg7[%add3A_179, %dma_start3A_184] : memref<80x125xi32, #tpu.memory_space<vmem>> -> memref<1x125xi32, #tpu.memory_space<vmem>>
      %dma_start3A_186 = tpu.memref_squeeze %dma_start3A_185 : memref<1x125xi32, #tpu.memory_space<vmem>> -> memref<125xi32, #tpu.memory_space<vmem>>
      %dma_start3A_187 = arith.constant 0 : i32
      %dma_start3A_188 = arith.constant 0 : i32
      %dma_start3A_189 = tpu.memref_slice %arg9[%dma_start3A_187, %dma_start3A_188] : memref<10000x64xf32, #tpu.memory_space<vmem_shared>> -> memref<10000x64xf32, #tpu.memory_space<vmem_shared>>
      %dma_start3A_190 = tpu.memref_slice %arg11[%dma_start3A_180] : memref<8x!tpu.dma_semaphore, #tpu.memory_space<semaphore_mem>> -> memref<1x!tpu.dma_semaphore, #tpu.memory_space<semaphore_mem>>
      %dma_start3A_191 = tpu.memref_squeeze %dma_start3A_190 : memref<1x!tpu.dma_semaphore, #tpu.memory_space<semaphore_mem>> -> memref<!tpu.dma_semaphore, #tpu.memory_space<semaphore_mem>>
      tpu.enqueue_indirect_dma source(%dma_start3A_183 : memref<125x64xf32, #tpu.memory_space<vmem>>) target(%dma_start3A_189 : memref<10000x64xf32, #tpu.memory_space<vmem_shared>>) offsets(%dma_start3A_186 : memref<125xi32, #tpu.memory_space<vmem>>) semaphore(%dma_start3A_191 : memref<!tpu.dma_semaphore, #tpu.memory_space<semaphore_mem>>) {add = true}
      %dma_wait3A_192 = arith.constant 2 : i32
      %dma_wait3A_193 = arith.constant 250 : i32
      %dma_wait3A_194 = arith.constant 0 : i32
      %dma_wait3A_195 = tpu.memref_slice %arg8[%dma_wait3A_193, %dma_wait3A_194] : memref<1000x64xf32, #tpu.memory_space<vmem>> -> memref<125x64xf32, #tpu.memory_space<vmem>>
      %dma_wait3A_196 = arith.constant 0 : i32
      %dma_wait3A_197 = tpu.memref_slice %arg6[%add3A_58, %dma_wait3A_196] : memref<80x125xi32, #tpu.memory_space<vmem>> -> memref<1x125xi32, #tpu.memory_space<vmem>>
      %dma_wait3A_198 = tpu.memref_squeeze %dma_wait3A_197 : memref<1x125xi32, #tpu.memory_space<vmem>> -> memref<125xi32, #tpu.memory_space<vmem>>
      %dma_wait3A_199 = arith.constant 0 : i32
      %dma_wait3A_200 = arith.constant 0 : i32
      %dma_wait3A_201 = tpu.memref_slice %arg2[%dma_wait3A_199, %dma_wait3A_200] : memref<10000x64xf32, #tpu.memory_space<hbm>> -> memref<10000x64xf32, #tpu.memory_space<hbm>>
      %dma_wait3A_202 = tpu.memref_slice %arg10[%dma_wait3A_192] : memref<8x!tpu.dma_semaphore, #tpu.memory_space<semaphore_mem>> -> memref<1x!tpu.dma_semaphore, #tpu.memory_space<semaphore_mem>>
      %dma_wait3A_203 = tpu.memref_squeeze %dma_wait3A_202 : memref<1x!tpu.dma_semaphore, #tpu.memory_space<semaphore_mem>> -> memref<!tpu.dma_semaphore, #tpu.memory_space<semaphore_mem>>
      tpu.wait_indirect_dma semaphore(%dma_wait3A_203 : memref<!tpu.dma_semaphore, #tpu.memory_space<semaphore_mem>>) src(%dma_wait3A_201 : memref<10000x64xf32, #tpu.memory_space<hbm>>) dst(%dma_wait3A_195 : memref<125x64xf32, #tpu.memory_space<vmem>>)
      %add3A_204 = arith.constant 2 : i32
      %add3A_205 = arith.addi %mul3A_29, %add3A_204 : i32
      %dma_start3A_206 = arith.constant 2 : i32
      %dma_start3A_207 = arith.constant 250 : i32
      %dma_start3A_208 = arith.constant 0 : i32
      %dma_start3A_209 = tpu.memref_slice %arg8[%dma_start3A_207, %dma_start3A_208] : memref<1000x64xf32, #tpu.memory_space<vmem>> -> memref<125x64xf32, #tpu.memory_space<vmem>>
      %dma_start3A_210 = arith.constant 0 : i32
      %dma_start3A_211 = tpu.memref_slice %arg7[%add3A_205, %dma_start3A_210] : memref<80x125xi32, #tpu.memory_space<vmem>> -> memref<1x125xi32, #tpu.memory_space<vmem>>
      %dma_start3A_212 = tpu.memref_squeeze %dma_start3A_211 : memref<1x125xi32, #tpu.memory_space<vmem>> -> memref<125xi32, #tpu.memory_space<vmem>>
      %dma_start3A_213 = arith.constant 0 : i32
      %dma_start3A_214 = arith.constant 0 : i32
      %dma_start3A_215 = tpu.memref_slice %arg9[%dma_start3A_213, %dma_start3A_214] : memref<10000x64xf32, #tpu.memory_space<vmem_shared>> -> memref<10000x64xf32, #tpu.memory_space<vmem_shared>>
      %dma_start3A_216 = tpu.memref_slice %arg11[%dma_start3A_206] : memref<8x!tpu.dma_semaphore, #tpu.memory_space<semaphore_mem>> -> memref<1x!tpu.dma_semaphore, #tpu.memory_space<semaphore_mem>>
      %dma_start3A_217 = tpu.memref_squeeze %dma_start3A_216 : memref<1x!tpu.dma_semaphore, #tpu.memory_space<semaphore_mem>> -> memref<!tpu.dma_semaphore, #tpu.memory_space<semaphore_mem>>
      tpu.enqueue_indirect_dma source(%dma_start3A_209 : memref<125x64xf32, #tpu.memory_space<vmem>>) target(%dma_start3A_215 : memref<10000x64xf32, #tpu.memory_space<vmem_shared>>) offsets(%dma_start3A_212 : memref<125xi32, #tpu.memory_space<vmem>>) semaphore(%dma_start3A_217 : memref<!tpu.dma_semaphore, #tpu.memory_space<semaphore_mem>>) {add = true}
      %dma_wait3A_218 = arith.constant 3 : i32
      %dma_wait3A_219 = arith.constant 375 : i32
      %dma_wait3A_220 = arith.constant 0 : i32
      %dma_wait3A_221 = tpu.memref_slice %arg8[%dma_wait3A_219, %dma_wait3A_220] : memref<1000x64xf32, #tpu.memory_space<vmem>> -> memref<125x64xf32, #tpu.memory_space<vmem>>
      %dma_wait3A_222 = arith.constant 0 : i32
      %dma_wait3A_223 = tpu.memref_slice %arg6[%add3A_72, %dma_wait3A_222] : memref<80x125xi32, #tpu.memory_space<vmem>> -> memref<1x125xi32, #tpu.memory_space<vmem>>
      %dma_wait3A_224 = tpu.memref_squeeze %dma_wait3A_223 : memref<1x125xi32, #tpu.memory_space<vmem>> -> memref<125xi32, #tpu.memory_space<vmem>>
      %dma_wait3A_225 = arith.constant 0 : i32
      %dma_wait3A_226 = arith.constant 0 : i32
      %dma_wait3A_227 = tpu.memref_slice %arg2[%dma_wait3A_225, %dma_wait3A_226] : memref<10000x64xf32, #tpu.memory_space<hbm>> -> memref<10000x64xf32, #tpu.memory_space<hbm>>
      %dma_wait3A_228 = tpu.memref_slice %arg10[%dma_wait3A_218] : memref<8x!tpu.dma_semaphore, #tpu.memory_space<semaphore_mem>> -> memref<1x!tpu.dma_semaphore, #tpu.memory_space<semaphore_mem>>
      %dma_wait3A_229 = tpu.memref_squeeze %dma_wait3A_228 : memref<1x!tpu.dma_semaphore, #tpu.memory_space<semaphore_mem>> -> memref<!tpu.dma_semaphore, #tpu.memory_space<semaphore_mem>>
      tpu.wait_indirect_dma semaphore(%dma_wait3A_229 : memref<!tpu.dma_semaphore, #tpu.memory_space<semaphore_mem>>) src(%dma_wait3A_227 : memref<10000x64xf32, #tpu.memory_space<hbm>>) dst(%dma_wait3A_221 : memref<125x64xf32, #tpu.memory_space<vmem>>)
      %add3A_230 = arith.constant 3 : i32
      %add3A_231 = arith.addi %mul3A_29, %add3A_230 : i32
      %dma_start3A_232 = arith.constant 3 : i32
      %dma_start3A_233 = arith.constant 375 : i32
      %dma_start3A_234 = arith.constant 0 : i32
      %dma_start3A_235 = tpu.memref_slice %arg8[%dma_start3A_233, %dma_start3A_234] : memref<1000x64xf32, #tpu.memory_space<vmem>> -> memref<125x64xf32, #tpu.memory_space<vmem>>
      %dma_start3A_236 = arith.constant 0 : i32
      %dma_start3A_237 = tpu.memref_slice %arg7[%add3A_231, %dma_start3A_236] : memref<80x125xi32, #tpu.memory_space<vmem>> -> memref<1x125xi32, #tpu.memory_space<vmem>>
      %dma_start3A_238 = tpu.memref_squeeze %dma_start3A_237 : memref<1x125xi32, #tpu.memory_space<vmem>> -> memref<125xi32, #tpu.memory_space<vmem>>
      %dma_start3A_239 = arith.constant 0 : i32
      %dma_start3A_240 = arith.constant 0 : i32
      %dma_start3A_241 = tpu.memref_slice %arg9[%dma_start3A_239, %dma_start3A_240] : memref<10000x64xf32, #tpu.memory_space<vmem_shared>> -> memref<10000x64xf32, #tpu.memory_space<vmem_shared>>
      %dma_start3A_242 = tpu.memref_slice %arg11[%dma_start3A_232] : memref<8x!tpu.dma_semaphore, #tpu.memory_space<semaphore_mem>> -> memref<1x!tpu.dma_semaphore, #tpu.memory_space<semaphore_mem>>
      %dma_start3A_243 = tpu.memref_squeeze %dma_start3A_242 : memref<1x!tpu.dma_semaphore, #tpu.memory_space<semaphore_mem>> -> memref<!tpu.dma_semaphore, #tpu.memory_space<semaphore_mem>>
      tpu.enqueue_indirect_dma source(%dma_start3A_235 : memref<125x64xf32, #tpu.memory_space<vmem>>) target(%dma_start3A_241 : memref<10000x64xf32, #tpu.memory_space<vmem_shared>>) offsets(%dma_start3A_238 : memref<125xi32, #tpu.memory_space<vmem>>) semaphore(%dma_start3A_243 : memref<!tpu.dma_semaphore, #tpu.memory_space<semaphore_mem>>) {add = true}
      %dma_wait3A_244 = arith.constant 4 : i32
      %dma_wait3A_245 = arith.constant 500 : i32
      %dma_wait3A_246 = arith.constant 0 : i32
      %dma_wait3A_247 = tpu.memref_slice %arg8[%dma_wait3A_245, %dma_wait3A_246] : memref<1000x64xf32, #tpu.memory_space<vmem>> -> memref<125x64xf32, #tpu.memory_space<vmem>>
      %dma_wait3A_248 = arith.constant 0 : i32
      %dma_wait3A_249 = tpu.memref_slice %arg6[%add3A_86, %dma_wait3A_248] : memref<80x125xi32, #tpu.memory_space<vmem>> -> memref<1x125xi32, #tpu.memory_space<vmem>>
      %dma_wait3A_250 = tpu.memref_squeeze %dma_wait3A_249 : memref<1x125xi32, #tpu.memory_space<vmem>> -> memref<125xi32, #tpu.memory_space<vmem>>
      %dma_wait3A_251 = arith.constant 0 : i32
      %dma_wait3A_252 = arith.constant 0 : i32
      %dma_wait3A_253 = tpu.memref_slice %arg2[%dma_wait3A_251, %dma_wait3A_252] : memref<10000x64xf32, #tpu.memory_space<hbm>> -> memref<10000x64xf32, #tpu.memory_space<hbm>>
      %dma_wait3A_254 = tpu.memref_slice %arg10[%dma_wait3A_244] : memref<8x!tpu.dma_semaphore, #tpu.memory_space<semaphore_mem>> -> memref<1x!tpu.dma_semaphore, #tpu.memory_space<semaphore_mem>>
      %dma_wait3A_255 = tpu.memref_squeeze %dma_wait3A_254 : memref<1x!tpu.dma_semaphore, #tpu.memory_space<semaphore_mem>> -> memref<!tpu.dma_semaphore, #tpu.memory_space<semaphore_mem>>
      tpu.wait_indirect_dma semaphore(%dma_wait3A_255 : memref<!tpu.dma_semaphore, #tpu.memory_space<semaphore_mem>>) src(%dma_wait3A_253 : memref<10000x64xf32, #tpu.memory_space<hbm>>) dst(%dma_wait3A_247 : memref<125x64xf32, #tpu.memory_space<vmem>>)
      %add3A_256 = arith.constant 4 : i32
      %add3A_257 = arith.addi %mul3A_29, %add3A_256 : i32
      %dma_start3A_258 = arith.constant 4 : i32
      %dma_start3A_259 = arith.constant 500 : i32
      %dma_start3A_260 = arith.constant 0 : i32
      %dma_start3A_261 = tpu.memref_slice %arg8[%dma_start3A_259, %dma_start3A_260] : memref<1000x64xf32, #tpu.memory_space<vmem>> -> memref<125x64xf32, #tpu.memory_space<vmem>>
      %dma_start3A_262 = arith.constant 0 : i32
      %dma_start3A_263 = tpu.memref_slice %arg7[%add3A_257, %dma_start3A_262] : memref<80x125xi32, #tpu.memory_space<vmem>> -> memref<1x125xi32, #tpu.memory_space<vmem>>
      %dma_start3A_264 = tpu.memref_squeeze %dma_start3A_263 : memref<1x125xi32, #tpu.memory_space<vmem>> -> memref<125xi32, #tpu.memory_space<vmem>>
      %dma_start3A_265 = arith.constant 0 : i32
      %dma_start3A_266 = arith.constant 0 : i32
      %dma_start3A_267 = tpu.memref_slice %arg9[%dma_start3A_265, %dma_start3A_266] : memref<10000x64xf32, #tpu.memory_space<vmem_shared>> -> memref<10000x64xf32, #tpu.memory_space<vmem_shared>>
      %dma_start3A_268 = tpu.memref_slice %arg11[%dma_start3A_258] : memref<8x!tpu.dma_semaphore, #tpu.memory_space<semaphore_mem>> -> memref<1x!tpu.dma_semaphore, #tpu.memory_space<semaphore_mem>>
      %dma_start3A_269 = tpu.memref_squeeze %dma_start3A_268 : memref<1x!tpu.dma_semaphore, #tpu.memory_space<semaphore_mem>> -> memref<!tpu.dma_semaphore, #tpu.memory_space<semaphore_mem>>
      tpu.enqueue_indirect_dma source(%dma_start3A_261 : memref<125x64xf32, #tpu.memory_space<vmem>>) target(%dma_start3A_267 : memref<10000x64xf32, #tpu.memory_space<vmem_shared>>) offsets(%dma_start3A_264 : memref<125xi32, #tpu.memory_space<vmem>>) semaphore(%dma_start3A_269 : memref<!tpu.dma_semaphore, #tpu.memory_space<semaphore_mem>>) {add = true}
      %dma_wait3A_270 = arith.constant 5 : i32
      %dma_wait3A_271 = arith.constant 625 : i32
      %dma_wait3A_272 = arith.constant 0 : i32
      %dma_wait3A_273 = tpu.memref_slice %arg8[%dma_wait3A_271, %dma_wait3A_272] : memref<1000x64xf32, #tpu.memory_space<vmem>> -> memref<125x64xf32, #tpu.memory_space<vmem>>
      %dma_wait3A_274 = arith.constant 0 : i32
      %dma_wait3A_275 = tpu.memref_slice %arg6[%add3A_100, %dma_wait3A_274] : memref<80x125xi32, #tpu.memory_space<vmem>> -> memref<1x125xi32, #tpu.memory_space<vmem>>
      %dma_wait3A_276 = tpu.memref_squeeze %dma_wait3A_275 : memref<1x125xi32, #tpu.memory_space<vmem>> -> memref<125xi32, #tpu.memory_space<vmem>>
      %dma_wait3A_277 = arith.constant 0 : i32
      %dma_wait3A_278 = arith.constant 0 : i32
      %dma_wait3A_279 = tpu.memref_slice %arg2[%dma_wait3A_277, %dma_wait3A_278] : memref<10000x64xf32, #tpu.memory_space<hbm>> -> memref<10000x64xf32, #tpu.memory_space<hbm>>
      %dma_wait3A_280 = tpu.memref_slice %arg10[%dma_wait3A_270] : memref<8x!tpu.dma_semaphore, #tpu.memory_space<semaphore_mem>> -> memref<1x!tpu.dma_semaphore, #tpu.memory_space<semaphore_mem>>
      %dma_wait3A_281 = tpu.memref_squeeze %dma_wait3A_280 : memref<1x!tpu.dma_semaphore, #tpu.memory_space<semaphore_mem>> -> memref<!tpu.dma_semaphore, #tpu.memory_space<semaphore_mem>>
      tpu.wait_indirect_dma semaphore(%dma_wait3A_281 : memref<!tpu.dma_semaphore, #tpu.memory_space<semaphore_mem>>) src(%dma_wait3A_279 : memref<10000x64xf32, #tpu.memory_space<hbm>>) dst(%dma_wait3A_273 : memref<125x64xf32, #tpu.memory_space<vmem>>)
      %add3A_282 = arith.constant 5 : i32
      %add3A_283 = arith.addi %mul3A_29, %add3A_282 : i32
      %dma_start3A_284 = arith.constant 5 : i32
      %dma_start3A_285 = arith.constant 625 : i32
      %dma_start3A_286 = arith.constant 0 : i32
      %dma_start3A_287 = tpu.memref_slice %arg8[%dma_start3A_285, %dma_start3A_286] : memref<1000x64xf32, #tpu.memory_space<vmem>> -> memref<125x64xf32, #tpu.memory_space<vmem>>
      %dma_start3A_288 = arith.constant 0 : i32
      %dma_start3A_289 = tpu.memref_slice %arg7[%add3A_283, %dma_start3A_288] : memref<80x125xi32, #tpu.memory_space<vmem>> -> memref<1x125xi32, #tpu.memory_space<vmem>>
      %dma_start3A_290 = tpu.memref_squeeze %dma_start3A_289 : memref<1x125xi32, #tpu.memory_space<vmem>> -> memref<125xi32, #tpu.memory_space<vmem>>
      %dma_start3A_291 = arith.constant 0 : i32
      %dma_start3A_292 = arith.constant 0 : i32
      %dma_start3A_293 = tpu.memref_slice %arg9[%dma_start3A_291, %dma_start3A_292] : memref<10000x64xf32, #tpu.memory_space<vmem_shared>> -> memref<10000x64xf32, #tpu.memory_space<vmem_shared>>
      %dma_start3A_294 = tpu.memref_slice %arg11[%dma_start3A_284] : memref<8x!tpu.dma_semaphore, #tpu.memory_space<semaphore_mem>> -> memref<1x!tpu.dma_semaphore, #tpu.memory_space<semaphore_mem>>
      %dma_start3A_295 = tpu.memref_squeeze %dma_start3A_294 : memref<1x!tpu.dma_semaphore, #tpu.memory_space<semaphore_mem>> -> memref<!tpu.dma_semaphore, #tpu.memory_space<semaphore_mem>>
      tpu.enqueue_indirect_dma source(%dma_start3A_287 : memref<125x64xf32, #tpu.memory_space<vmem>>) target(%dma_start3A_293 : memref<10000x64xf32, #tpu.memory_space<vmem_shared>>) offsets(%dma_start3A_290 : memref<125xi32, #tpu.memory_space<vmem>>) semaphore(%dma_start3A_295 : memref<!tpu.dma_semaphore, #tpu.memory_space<semaphore_mem>>) {add = true}
      %dma_wait3A_296 = arith.constant 6 : i32
      %dma_wait3A_297 = arith.constant 750 : i32
      %dma_wait3A_298 = arith.constant 0 : i32
      %dma_wait3A_299 = tpu.memref_slice %arg8[%dma_wait3A_297, %dma_wait3A_298] : memref<1000x64xf32, #tpu.memory_space<vmem>> -> memref<125x64xf32, #tpu.memory_space<vmem>>
      %dma_wait3A_300 = arith.constant 0 : i32
      %dma_wait3A_301 = tpu.memref_slice %arg6[%add3A_114, %dma_wait3A_300] : memref<80x125xi32, #tpu.memory_space<vmem>> -> memref<1x125xi32, #tpu.memory_space<vmem>>
      %dma_wait3A_302 = tpu.memref_squeeze %dma_wait3A_301 : memref<1x125xi32, #tpu.memory_space<vmem>> -> memref<125xi32, #tpu.memory_space<vmem>>
      %dma_wait3A_303 = arith.constant 0 : i32
      %dma_wait3A_304 = arith.constant 0 : i32
      %dma_wait3A_305 = tpu.memref_slice %arg2[%dma_wait3A_303, %dma_wait3A_304] : memref<10000x64xf32, #tpu.memory_space<hbm>> -> memref<10000x64xf32, #tpu.memory_space<hbm>>
      %dma_wait3A_306 = tpu.memref_slice %arg10[%dma_wait3A_296] : memref<8x!tpu.dma_semaphore, #tpu.memory_space<semaphore_mem>> -> memref<1x!tpu.dma_semaphore, #tpu.memory_space<semaphore_mem>>
      %dma_wait3A_307 = tpu.memref_squeeze %dma_wait3A_306 : memref<1x!tpu.dma_semaphore, #tpu.memory_space<semaphore_mem>> -> memref<!tpu.dma_semaphore, #tpu.memory_space<semaphore_mem>>
      tpu.wait_indirect_dma semaphore(%dma_wait3A_307 : memref<!tpu.dma_semaphore, #tpu.memory_space<semaphore_mem>>) src(%dma_wait3A_305 : memref<10000x64xf32, #tpu.memory_space<hbm>>) dst(%dma_wait3A_299 : memref<125x64xf32, #tpu.memory_space<vmem>>)
      %add3A_308 = arith.constant 6 : i32
      %add3A_309 = arith.addi %mul3A_29, %add3A_308 : i32
      %dma_start3A_310 = arith.constant 6 : i32
      %dma_start3A_311 = arith.constant 750 : i32
      %dma_start3A_312 = arith.constant 0 : i32
      %dma_start3A_313 = tpu.memref_slice %arg8[%dma_start3A_311, %dma_start3A_312] : memref<1000x64xf32, #tpu.memory_space<vmem>> -> memref<125x64xf32, #tpu.memory_space<vmem>>
      %dma_start3A_314 = arith.constant 0 : i32
      %dma_start3A_315 = tpu.memref_slice %arg7[%add3A_309, %dma_start3A_314] : memref<80x125xi32, #tpu.memory_space<vmem>> -> memref<1x125xi32, #tpu.memory_space<vmem>>
      %dma_start3A_316 = tpu.memref_squeeze %dma_start3A_315 : memref<1x125xi32, #tpu.memory_space<vmem>> -> memref<125xi32, #tpu.memory_space<vmem>>
      %dma_start3A_317 = arith.constant 0 : i32
      %dma_start3A_318 = arith.constant 0 : i32
      %dma_start3A_319 = tpu.memref_slice %arg9[%dma_start3A_317, %dma_start3A_318] : memref<10000x64xf32, #tpu.memory_space<vmem_shared>> -> memref<10000x64xf32, #tpu.memory_space<vmem_shared>>
      %dma_start3A_320 = tpu.memref_slice %arg11[%dma_start3A_310] : memref<8x!tpu.dma_semaphore, #tpu.memory_space<semaphore_mem>> -> memref<1x!tpu.dma_semaphore, #tpu.memory_space<semaphore_mem>>
      %dma_start3A_321 = tpu.memref_squeeze %dma_start3A_320 : memref<1x!tpu.dma_semaphore, #tpu.memory_space<semaphore_mem>> -> memref<!tpu.dma_semaphore, #tpu.memory_space<semaphore_mem>>
      tpu.enqueue_indirect_dma source(%dma_start3A_313 : memref<125x64xf32, #tpu.memory_space<vmem>>) target(%dma_start3A_319 : memref<10000x64xf32, #tpu.memory_space<vmem_shared>>) offsets(%dma_start3A_316 : memref<125xi32, #tpu.memory_space<vmem>>) semaphore(%dma_start3A_321 : memref<!tpu.dma_semaphore, #tpu.memory_space<semaphore_mem>>) {add = true}
      %dma_wait3A_322 = arith.constant 7 : i32
      %dma_wait3A_323 = arith.constant 875 : i32
      %dma_wait3A_324 = arith.constant 0 : i32
      %dma_wait3A_325 = tpu.memref_slice %arg8[%dma_wait3A_323, %dma_wait3A_324] : memref<1000x64xf32, #tpu.memory_space<vmem>> -> memref<125x64xf32, #tpu.memory_space<vmem>>
      %dma_wait3A_326 = arith.constant 0 : i32
      %dma_wait3A_327 = tpu.memref_slice %arg6[%add3A_128, %dma_wait3A_326] : memref<80x125xi32, #tpu.memory_space<vmem>> -> memref<1x125xi32, #tpu.memory_space<vmem>>
      %dma_wait3A_328 = tpu.memref_squeeze %dma_wait3A_327 : memref<1x125xi32, #tpu.memory_space<vmem>> -> memref<125xi32, #tpu.memory_space<vmem>>
      %dma_wait3A_329 = arith.constant 0 : i32
      %dma_wait3A_330 = arith.constant 0 : i32
      %dma_wait3A_331 = tpu.memref_slice %arg2[%dma_wait3A_329, %dma_wait3A_330] : memref<10000x64xf32, #tpu.memory_space<hbm>> -> memref<10000x64xf32, #tpu.memory_space<hbm>>
      %dma_wait3A_332 = tpu.memref_slice %arg10[%dma_wait3A_322] : memref<8x!tpu.dma_semaphore, #tpu.memory_space<semaphore_mem>> -> memref<1x!tpu.dma_semaphore, #tpu.memory_space<semaphore_mem>>
      %dma_wait3A_333 = tpu.memref_squeeze %dma_wait3A_332 : memref<1x!tpu.dma_semaphore, #tpu.memory_space<semaphore_mem>> -> memref<!tpu.dma_semaphore, #tpu.memory_space<semaphore_mem>>
      tpu.wait_indirect_dma semaphore(%dma_wait3A_333 : memref<!tpu.dma_semaphore, #tpu.memory_space<semaphore_mem>>) src(%dma_wait3A_331 : memref<10000x64xf32, #tpu.memory_space<hbm>>) dst(%dma_wait3A_325 : memref<125x64xf32, #tpu.memory_space<vmem>>)
      %add3A_334 = arith.constant 7 : i32
      %add3A_335 = arith.addi %mul3A_29, %add3A_334 : i32
      %dma_start3A_336 = arith.constant 7 : i32
      %dma_start3A_337 = arith.constant 875 : i32
      %dma_start3A_338 = arith.constant 0 : i32
      %dma_start3A_339 = tpu.memref_slice %arg8[%dma_start3A_337, %dma_start3A_338] : memref<1000x64xf32, #tpu.memory_space<vmem>> -> memref<125x64xf32, #tpu.memory_space<vmem>>
      %dma_start3A_340 = arith.constant 0 : i32
      %dma_start3A_341 = tpu.memref_slice %arg7[%add3A_335, %dma_start3A_340] : memref<80x125xi32, #tpu.memory_space<vmem>> -> memref<1x125xi32, #tpu.memory_space<vmem>>
      %dma_start3A_342 = tpu.memref_squeeze %dma_start3A_341 : memref<1x125xi32, #tpu.memory_space<vmem>> -> memref<125xi32, #tpu.memory_space<vmem>>
      %dma_start3A_343 = arith.constant 0 : i32
      %dma_start3A_344 = arith.constant 0 : i32
      %dma_start3A_345 = tpu.memref_slice %arg9[%dma_start3A_343, %dma_start3A_344] : memref<10000x64xf32, #tpu.memory_space<vmem_shared>> -> memref<10000x64xf32, #tpu.memory_space<vmem_shared>>
      %dma_start3A_346 = tpu.memref_slice %arg11[%dma_start3A_336] : memref<8x!tpu.dma_semaphore, #tpu.memory_space<semaphore_mem>> -> memref<1x!tpu.dma_semaphore, #tpu.memory_space<semaphore_mem>>
      %dma_start3A_347 = tpu.memref_squeeze %dma_start3A_346 : memref<1x!tpu.dma_semaphore, #tpu.memory_space<semaphore_mem>> -> memref<!tpu.dma_semaphore, #tpu.memory_space<semaphore_mem>>
      tpu.enqueue_indirect_dma source(%dma_start3A_339 : memref<125x64xf32, #tpu.memory_space<vmem>>) target(%dma_start3A_345 : memref<10000x64xf32, #tpu.memory_space<vmem_shared>>) offsets(%dma_start3A_342 : memref<125xi32, #tpu.memory_space<vmem>>) semaphore(%dma_start3A_347 : memref<!tpu.dma_semaphore, #tpu.memory_space<semaphore_mem>>) {add = true}
      %dma_wait3A_348 = arith.constant 0 : i32
      %dma_wait3A_349 = arith.constant 0 : i32
      %dma_wait3A_350 = arith.constant 0 : i32
      %dma_wait3A_351 = tpu.memref_slice %arg8[%dma_wait3A_349, %dma_wait3A_350] : memref<1000x64xf32, #tpu.memory_space<vmem>> -> memref<125x64xf32, #tpu.memory_space<vmem>>
      %dma_wait3A_352 = arith.constant 0 : i32
      %dma_wait3A_353 = tpu.memref_slice %arg7[%add3A_153, %dma_wait3A_352] : memref<80x125xi32, #tpu.memory_space<vmem>> -> memref<1x125xi32, #tpu.memory_space<vmem>>
      %dma_wait3A_354 = tpu.memref_squeeze %dma_wait3A_353 : memref<1x125xi32, #tpu.memory_space<vmem>> -> memref<125xi32, #tpu.memory_space<vmem>>
      %dma_wait3A_355 = arith.constant 0 : i32
      %dma_wait3A_356 = arith.constant 0 : i32
      %dma_wait3A_357 = tpu.memref_slice %arg9[%dma_wait3A_355, %dma_wait3A_356] : memref<10000x64xf32, #tpu.memory_space<vmem_shared>> -> memref<10000x64xf32, #tpu.memory_space<vmem_shared>>
      %dma_wait3A_358 = tpu.memref_slice %arg11[%dma_wait3A_348] : memref<8x!tpu.dma_semaphore, #tpu.memory_space<semaphore_mem>> -> memref<1x!tpu.dma_semaphore, #tpu.memory_space<semaphore_mem>>
      %dma_wait3A_359 = tpu.memref_squeeze %dma_wait3A_358 : memref<1x!tpu.dma_semaphore, #tpu.memory_space<semaphore_mem>> -> memref<!tpu.dma_semaphore, #tpu.memory_space<semaphore_mem>>
      tpu.wait_indirect_dma semaphore(%dma_wait3A_359 : memref<!tpu.dma_semaphore, #tpu.memory_space<semaphore_mem>>) src(%dma_wait3A_351 : memref<125x64xf32, #tpu.memory_space<vmem>>) dst(%dma_wait3A_357 : memref<10000x64xf32, #tpu.memory_space<vmem_shared>>)
      %dma_wait3A_360 = arith.constant 1 : i32
      %dma_wait3A_361 = arith.constant 125 : i32
      %dma_wait3A_362 = arith.constant 0 : i32
      %dma_wait3A_363 = tpu.memref_slice %arg8[%dma_wait3A_361, %dma_wait3A_362] : memref<1000x64xf32, #tpu.memory_space<vmem>> -> memref<125x64xf32, #tpu.memory_space<vmem>>
      %dma_wait3A_364 = arith.constant 0 : i32
      %dma_wait3A_365 = tpu.memref_slice %arg7[%add3A_179, %dma_wait3A_364] : memref<80x125xi32, #tpu.memory_space<vmem>> -> memref<1x125xi32, #tpu.memory_space<vmem>>
      %dma_wait3A_366 = tpu.memref_squeeze %dma_wait3A_365 : memref<1x125xi32, #tpu.memory_space<vmem>> -> memref<125xi32, #tpu.memory_space<vmem>>
      %dma_wait3A_367 = arith.constant 0 : i32
      %dma_wait3A_368 = arith.constant 0 : i32
      %dma_wait3A_369 = tpu.memref_slice %arg9[%dma_wait3A_367, %dma_wait3A_368] : memref<10000x64xf32, #tpu.memory_space<vmem_shared>> -> memref<10000x64xf32, #tpu.memory_space<vmem_shared>>
      %dma_wait3A_370 = tpu.memref_slice %arg11[%dma_wait3A_360] : memref<8x!tpu.dma_semaphore, #tpu.memory_space<semaphore_mem>> -> memref<1x!tpu.dma_semaphore, #tpu.memory_space<semaphore_mem>>
      %dma_wait3A_371 = tpu.memref_squeeze %dma_wait3A_370 : memref<1x!tpu.dma_semaphore, #tpu.memory_space<semaphore_mem>> -> memref<!tpu.dma_semaphore, #tpu.memory_space<semaphore_mem>>
      tpu.wait_indirect_dma semaphore(%dma_wait3A_371 : memref<!tpu.dma_semaphore, #tpu.memory_space<semaphore_mem>>) src(%dma_wait3A_363 : memref<125x64xf32, #tpu.memory_space<vmem>>) dst(%dma_wait3A_369 : memref<10000x64xf32, #tpu.memory_space<vmem_shared>>)
      %dma_wait3A_372 = arith.constant 2 : i32
      %dma_wait3A_373 = arith.constant 250 : i32
      %dma_wait3A_374 = arith.constant 0 : i32
      %dma_wait3A_375 = tpu.memref_slice %arg8[%dma_wait3A_373, %dma_wait3A_374] : memref<1000x64xf32, #tpu.memory_space<vmem>> -> memref<125x64xf32, #tpu.memory_space<vmem>>
      %dma_wait3A_376 = arith.constant 0 : i32
      %dma_wait3A_377 = tpu.memref_slice %arg7[%add3A_205, %dma_wait3A_376] : memref<80x125xi32, #tpu.memory_space<vmem>> -> memref<1x125xi32, #tpu.memory_space<vmem>>
      %dma_wait3A_378 = tpu.memref_squeeze %dma_wait3A_377 : memref<1x125xi32, #tpu.memory_space<vmem>> -> memref<125xi32, #tpu.memory_space<vmem>>
      %dma_wait3A_379 = arith.constant 0 : i32
      %dma_wait3A_380 = arith.constant 0 : i32
      %dma_wait3A_381 = tpu.memref_slice %arg9[%dma_wait3A_379, %dma_wait3A_380] : memref<10000x64xf32, #tpu.memory_space<vmem_shared>> -> memref<10000x64xf32, #tpu.memory_space<vmem_shared>>
      %dma_wait3A_382 = tpu.memref_slice %arg11[%dma_wait3A_372] : memref<8x!tpu.dma_semaphore, #tpu.memory_space<semaphore_mem>> -> memref<1x!tpu.dma_semaphore, #tpu.memory_space<semaphore_mem>>
      %dma_wait3A_383 = tpu.memref_squeeze %dma_wait3A_382 : memref<1x!tpu.dma_semaphore, #tpu.memory_space<semaphore_mem>> -> memref<!tpu.dma_semaphore, #tpu.memory_space<semaphore_mem>>
      tpu.wait_indirect_dma semaphore(%dma_wait3A_383 : memref<!tpu.dma_semaphore, #tpu.memory_space<semaphore_mem>>) src(%dma_wait3A_375 : memref<125x64xf32, #tpu.memory_space<vmem>>) dst(%dma_wait3A_381 : memref<10000x64xf32, #tpu.memory_space<vmem_shared>>)
      %dma_wait3A_384 = arith.constant 3 : i32
      %dma_wait3A_385 = arith.constant 375 : i32
      %dma_wait3A_386 = arith.constant 0 : i32
      %dma_wait3A_387 = tpu.memref_slice %arg8[%dma_wait3A_385, %dma_wait3A_386] : memref<1000x64xf32, #tpu.memory_space<vmem>> -> memref<125x64xf32, #tpu.memory_space<vmem>>
      %dma_wait3A_388 = arith.constant 0 : i32
      %dma_wait3A_389 = tpu.memref_slice %arg7[%add3A_231, %dma_wait3A_388] : memref<80x125xi32, #tpu.memory_space<vmem>> -> memref<1x125xi32, #tpu.memory_space<vmem>>
      %dma_wait3A_390 = tpu.memref_squeeze %dma_wait3A_389 : memref<1x125xi32, #tpu.memory_space<vmem>> -> memref<125xi32, #tpu.memory_space<vmem>>
      %dma_wait3A_391 = arith.constant 0 : i32
      %dma_wait3A_392 = arith.constant 0 : i32
      %dma_wait3A_393 = tpu.memref_slice %arg9[%dma_wait3A_391, %dma_wait3A_392] : memref<10000x64xf32, #tpu.memory_space<vmem_shared>> -> memref<10000x64xf32, #tpu.memory_space<vmem_shared>>
      %dma_wait3A_394 = tpu.memref_slice %arg11[%dma_wait3A_384] : memref<8x!tpu.dma_semaphore, #tpu.memory_space<semaphore_mem>> -> memref<1x!tpu.dma_semaphore, #tpu.memory_space<semaphore_mem>>
      %dma_wait3A_395 = tpu.memref_squeeze %dma_wait3A_394 : memref<1x!tpu.dma_semaphore, #tpu.memory_space<semaphore_mem>> -> memref<!tpu.dma_semaphore, #tpu.memory_space<semaphore_mem>>
      tpu.wait_indirect_dma semaphore(%dma_wait3A_395 : memref<!tpu.dma_semaphore, #tpu.memory_space<semaphore_mem>>) src(%dma_wait3A_387 : memref<125x64xf32, #tpu.memory_space<vmem>>) dst(%dma_wait3A_393 : memref<10000x64xf32, #tpu.memory_space<vmem_shared>>)
      %dma_wait3A_396 = arith.constant 4 : i32
      %dma_wait3A_397 = arith.constant 500 : i32
      %dma_wait3A_398 = arith.constant 0 : i32
      %dma_wait3A_399 = tpu.memref_slice %arg8[%dma_wait3A_397, %dma_wait3A_398] : memref<1000x64xf32, #tpu.memory_space<vmem>> -> memref<125x64xf32, #tpu.memory_space<vmem>>
      %dma_wait3A_400 = arith.constant 0 : i32
      %dma_wait3A_401 = tpu.memref_slice %arg7[%add3A_257, %dma_wait3A_400] : memref<80x125xi32, #tpu.memory_space<vmem>> -> memref<1x125xi32, #tpu.memory_space<vmem>>
      %dma_wait3A_402 = tpu.memref_squeeze %dma_wait3A_401 : memref<1x125xi32, #tpu.memory_space<vmem>> -> memref<125xi32, #tpu.memory_space<vmem>>
      %dma_wait3A_403 = arith.constant 0 : i32
      %dma_wait3A_404 = arith.constant 0 : i32
      %dma_wait3A_405 = tpu.memref_slice %arg9[%dma_wait3A_403, %dma_wait3A_404] : memref<10000x64xf32, #tpu.memory_space<vmem_shared>> -> memref<10000x64xf32, #tpu.memory_space<vmem_shared>>
      %dma_wait3A_406 = tpu.memref_slice %arg11[%dma_wait3A_396] : memref<8x!tpu.dma_semaphore, #tpu.memory_space<semaphore_mem>> -> memref<1x!tpu.dma_semaphore, #tpu.memory_space<semaphore_mem>>
      %dma_wait3A_407 = tpu.memref_squeeze %dma_wait3A_406 : memref<1x!tpu.dma_semaphore, #tpu.memory_space<semaphore_mem>> -> memref<!tpu.dma_semaphore, #tpu.memory_space<semaphore_mem>>
      tpu.wait_indirect_dma semaphore(%dma_wait3A_407 : memref<!tpu.dma_semaphore, #tpu.memory_space<semaphore_mem>>) src(%dma_wait3A_399 : memref<125x64xf32, #tpu.memory_space<vmem>>) dst(%dma_wait3A_405 : memref<10000x64xf32, #tpu.memory_space<vmem_shared>>)
      %dma_wait3A_408 = arith.constant 5 : i32
      %dma_wait3A_409 = arith.constant 625 : i32
      %dma_wait3A_410 = arith.constant 0 : i32
      %dma_wait3A_411 = tpu.memref_slice %arg8[%dma_wait3A_409, %dma_wait3A_410] : memref<1000x64xf32, #tpu.memory_space<vmem>> -> memref<125x64xf32, #tpu.memory_space<vmem>>
      %dma_wait3A_412 = arith.constant 0 : i32
      %dma_wait3A_413 = tpu.memref_slice %arg7[%add3A_283, %dma_wait3A_412] : memref<80x125xi32, #tpu.memory_space<vmem>> -> memref<1x125xi32, #tpu.memory_space<vmem>>
      %dma_wait3A_414 = tpu.memref_squeeze %dma_wait3A_413 : memref<1x125xi32, #tpu.memory_space<vmem>> -> memref<125xi32, #tpu.memory_space<vmem>>
      %dma_wait3A_415 = arith.constant 0 : i32
      %dma_wait3A_416 = arith.constant 0 : i32
      %dma_wait3A_417 = tpu.memref_slice %arg9[%dma_wait3A_415, %dma_wait3A_416] : memref<10000x64xf32, #tpu.memory_space<vmem_shared>> -> memref<10000x64xf32, #tpu.memory_space<vmem_shared>>
      %dma_wait3A_418 = tpu.memref_slice %arg11[%dma_wait3A_408] : memref<8x!tpu.dma_semaphore, #tpu.memory_space<semaphore_mem>> -> memref<1x!tpu.dma_semaphore, #tpu.memory_space<semaphore_mem>>
      %dma_wait3A_419 = tpu.memref_squeeze %dma_wait3A_418 : memref<1x!tpu.dma_semaphore, #tpu.memory_space<semaphore_mem>> -> memref<!tpu.dma_semaphore, #tpu.memory_space<semaphore_mem>>
      tpu.wait_indirect_dma semaphore(%dma_wait3A_419 : memref<!tpu.dma_semaphore, #tpu.memory_space<semaphore_mem>>) src(%dma_wait3A_411 : memref<125x64xf32, #tpu.memory_space<vmem>>) dst(%dma_wait3A_417 : memref<10000x64xf32, #tpu.memory_space<vmem_shared>>)
      %dma_wait3A_420 = arith.constant 6 : i32
      %dma_wait3A_421 = arith.constant 750 : i32
      %dma_wait3A_422 = arith.constant 0 : i32
      %dma_wait3A_423 = tpu.memref_slice %arg8[%dma_wait3A_421, %dma_wait3A_422] : memref<1000x64xf32, #tpu.memory_space<vmem>> -> memref<125x64xf32, #tpu.memory_space<vmem>>
      %dma_wait3A_424 = arith.constant 0 : i32
      %dma_wait3A_425 = tpu.memref_slice %arg7[%add3A_309, %dma_wait3A_424] : memref<80x125xi32, #tpu.memory_space<vmem>> -> memref<1x125xi32, #tpu.memory_space<vmem>>
      %dma_wait3A_426 = tpu.memref_squeeze %dma_wait3A_425 : memref<1x125xi32, #tpu.memory_space<vmem>> -> memref<125xi32, #tpu.memory_space<vmem>>
      %dma_wait3A_427 = arith.constant 0 : i32
      %dma_wait3A_428 = arith.constant 0 : i32
      %dma_wait3A_429 = tpu.memref_slice %arg9[%dma_wait3A_427, %dma_wait3A_428] : memref<10000x64xf32, #tpu.memory_space<vmem_shared>> -> memref<10000x64xf32, #tpu.memory_space<vmem_shared>>
      %dma_wait3A_430 = tpu.memref_slice %arg11[%dma_wait3A_420] : memref<8x!tpu.dma_semaphore, #tpu.memory_space<semaphore_mem>> -> memref<1x!tpu.dma_semaphore, #tpu.memory_space<semaphore_mem>>
      %dma_wait3A_431 = tpu.memref_squeeze %dma_wait3A_430 : memref<1x!tpu.dma_semaphore, #tpu.memory_space<semaphore_mem>> -> memref<!tpu.dma_semaphore, #tpu.memory_space<semaphore_mem>>
      tpu.wait_indirect_dma semaphore(%dma_wait3A_431 : memref<!tpu.dma_semaphore, #tpu.memory_space<semaphore_mem>>) src(%dma_wait3A_423 : memref<125x64xf32, #tpu.memory_space<vmem>>) dst(%dma_wait3A_429 : memref<10000x64xf32, #tpu.memory_space<vmem_shared>>)
      %dma_wait3A_432 = arith.constant 7 : i32
      %dma_wait3A_433 = arith.constant 875 : i32
      %dma_wait3A_434 = arith.constant 0 : i32
      %dma_wait3A_435 = tpu.memref_slice %arg8[%dma_wait3A_433, %dma_wait3A_434] : memref<1000x64xf32, #tpu.memory_space<vmem>> -> memref<125x64xf32, #tpu.memory_space<vmem>>
      %dma_wait3A_436 = arith.constant 0 : i32
      %dma_wait3A_437 = tpu.memref_slice %arg7[%add3A_335, %dma_wait3A_436] : memref<80x125xi32, #tpu.memory_space<vmem>> -> memref<1x125xi32, #tpu.memory_space<vmem>>
      %dma_wait3A_438 = tpu.memref_squeeze %dma_wait3A_437 : memref<1x125xi32, #tpu.memory_space<vmem>> -> memref<125xi32, #tpu.memory_space<vmem>>
      %dma_wait3A_439 = arith.constant 0 : i32
      %dma_wait3A_440 = arith.constant 0 : i32
      %dma_wait3A_441 = tpu.memref_slice %arg9[%dma_wait3A_439, %dma_wait3A_440] : memref<10000x64xf32, #tpu.memory_space<vmem_shared>> -> memref<10000x64xf32, #tpu.memory_space<vmem_shared>>
      %dma_wait3A_442 = tpu.memref_slice %arg11[%dma_wait3A_432] : memref<8x!tpu.dma_semaphore, #tpu.memory_space<semaphore_mem>> -> memref<1x!tpu.dma_semaphore, #tpu.memory_space<semaphore_mem>>
      %dma_wait3A_443 = tpu.memref_squeeze %dma_wait3A_442 : memref<1x!tpu.dma_semaphore, #tpu.memory_space<semaphore_mem>> -> memref<!tpu.dma_semaphore, #tpu.memory_space<semaphore_mem>>
      tpu.wait_indirect_dma semaphore(%dma_wait3A_443 : memref<!tpu.dma_semaphore, #tpu.memory_space<semaphore_mem>>) src(%dma_wait3A_435 : memref<125x64xf32, #tpu.memory_space<vmem>>) dst(%dma_wait3A_441 : memref<10000x64xf32, #tpu.memory_space<vmem_shared>>)
    }
    %scan3A_23 = arith.constant 10 : i32
    %barrier3A_24 = arith.constant 0 : index
    tpu.barrier barrier_id(%barrier3A_24)
    %lt3A = arith.constant 10 : i32
    %lt3A_25 = arith.cmpi slt, %arg1, %lt3A : i32
    %convert_element_type3A = arith.extui %lt3A_25 : i1 to i32
    %cond3A = arith.constant 0 : i32
    %cond3A_26 = arith.cmpi ne, %convert_element_type3A, %cond3A : i32
    scf.if %cond3A_26 {
      %mul3A_27 = arith.constant 1000 : i32
      %mul3A_28 = arith.muli %arg1, %mul3A_27 : i32
      %mul3A_29 = arith.constant 1000 : i32
      %mul3A_30 = arith.muli %arg1, %mul3A_29 : i32
      "tpu.region"() ({
        %run_scoped3A = tpu.sem_alloc : memref<!tpu.dma_semaphore, #tpu.memory_space<semaphore_mem>>
        %dma_start3A = arith.constant 0 : i32
        %dma_start3A_31 = tpu.memref_slice %arg5[%arg0, %mul3A_30, %dma_start3A] : memref<2x10000x64xf32, #tpu.memory_space<hbm>> -> memref<1x1000x64xf32, #tpu.memory_space<hbm>>
        %dma_start3A_32 = tpu.memref_squeeze %dma_start3A_31 : memref<1x1000x64xf32, #tpu.memory_space<hbm>> -> memref<1000x64xf32, #tpu.memory_space<hbm>>
        %dma_start3A_33 = arith.constant 0 : i32
        %dma_start3A_34 = tpu.memref_slice %arg9[%mul3A_28, %dma_start3A_33] : memref<10000x64xf32, #tpu.memory_space<vmem_shared>> -> memref<1000x64xf32, #tpu.memory_space<vmem_shared>>
        tpu.enqueue_dma source(%dma_start3A_34 : memref<1000x64xf32, #tpu.memory_space<vmem_shared>>) target(%dma_start3A_32 : memref<1000x64xf32, #tpu.memory_space<hbm>>) target_semaphore(%run_scoped3A : memref<!tpu.dma_semaphore, #tpu.memory_space<semaphore_mem>>)
        %dma_wait3A = arith.constant 0 : i32
        %dma_wait3A_35 = tpu.memref_slice %arg5[%arg0, %mul3A_30, %dma_wait3A] : memref<2x10000x64xf32, #tpu.memory_space<hbm>> -> memref<1x1000x64xf32, #tpu.memory_space<hbm>>
        %dma_wait3A_36 = tpu.memref_squeeze %dma_wait3A_35 : memref<1x1000x64xf32, #tpu.memory_space<hbm>> -> memref<1000x64xf32, #tpu.memory_space<hbm>>
        %dma_wait3A_37 = arith.constant 0 : i32
        %dma_wait3A_38 = tpu.memref_slice %arg9[%mul3A_28, %dma_wait3A_37] : memref<10000x64xf32, #tpu.memory_space<vmem_shared>> -> memref<1000x64xf32, #tpu.memory_space<vmem_shared>>
        tpu.wait_dma2 semaphore(%run_scoped3A : memref<!tpu.dma_semaphore, #tpu.memory_space<semaphore_mem>>) src(%dma_wait3A_38 : memref<1000x64xf32, #tpu.memory_space<vmem_shared>>) dst(%dma_wait3A_36 : memref<1000x64xf32, #tpu.memory_space<hbm>>)
        tpu.yield
      }) : () -> ()
    } else {
    }
    return
  }
}

module attributes {stable_mosaic.version = 14 : i64} {
  func.func @_mm1_body(%arg0: i32, %arg1: memref<1000x128xf32, #tpu.memory_space<vmem>>, %arg2: memref<1000x128xf32, #tpu.memory_space<vmem>>, %arg3: memref<128x64xf32, #tpu.memory_space<vmem>>, %arg4: memref<1000x128xf32, #tpu.memory_space<vmem>>) attributes {dimension_semantics = [#tpu.dimension_semantics<arbitrary>], iteration_bounds = array<i64: 5>, scalar_prefetch = 0 : i64, scratch_operands = 0 : i64, tpu.core_type = #tpu.core_type<tc>, window_params = [{transform_indices = @transform_0, window_bounds = array<i64: 1000, 128>}, {transform_indices = @transform_1, window_bounds = array<i64: 1000, 128>}, {pipeline_mode = #tpu.pipeline_mode<synchronous>, transform_indices = @transform_2, window_bounds = array<i64: 128, 64>}, {transform_indices = @transform_3, window_bounds = array<i64: 1000, 128>}]} {
    %get3A = arith.constant 0 : index
    %get3A_0 = arith.constant 0 : index
    %get3A_1 = vector.load %arg3[%get3A, %get3A_0] : memref<128x64xf32, #tpu.memory_space<vmem>>, vector<128x64xf32>
    %get3A_2 = arith.constant 0 : index
    %get3A_3 = arith.constant 0 : index
    %get3A_4 = vector.load %arg1[%get3A_2, %get3A_3] : memref<1000x128xf32, #tpu.memory_space<vmem>>, vector<1000x128xf32>
    %dot_general3A = arith.constant dense<0.000000e+00> : vector<1000x64xf32>
    %dot_general3A_5 = tpu.matmul %get3A_4, %get3A_1, %dot_general3A {dimension_numbers = #tpu.dot_dimension_numbers<[1], [0], [0], [1], [0, 0, 1, 1], [], []>, transpose_lhs_hint = false} : vector<1000x128xf32>, vector<128x64xf32>, vector<1000x64xf32> -> vector<1000x64xf32>
    %get3A_6 = arith.constant 0 : index
    %get3A_7 = arith.constant 0 : index
    %get3A_8 = vector.load %arg2[%get3A_6, %get3A_7] : memref<1000x128xf32, #tpu.memory_space<vmem>>, vector<1000x128xf32>
    %dot_general3A_9 = arith.constant dense<0.000000e+00> : vector<1000x64xf32>
    %dot_general3A_10 = tpu.matmul %get3A_8, %get3A_1, %dot_general3A_9 {dimension_numbers = #tpu.dot_dimension_numbers<[1], [0], [0], [1], [0, 0, 1, 1], [], []>, transpose_lhs_hint = false} : vector<1000x128xf32>, vector<128x64xf32>, vector<1000x64xf32> -> vector<1000x64xf32>
    %concatenate3A = tpu.concatenate %dot_general3A_5, %dot_general3A_10 in 1 : vector<1000x64xf32>, vector<1000x64xf32> -> vector<1000x128xf32>
    %swap3A = arith.constant 0 : index
    %swap3A_11 = arith.constant 0 : index
    %swap3A_12 = vector.load %arg4[%swap3A, %swap3A_11] : memref<1000x128xf32, #tpu.memory_space<vmem>>, vector<1000x128xf32>
    tpu.vector_store %arg4[%swap3A, %swap3A_11], %concatenate3A {strides = array<i32>} : memref<1000x128xf32, #tpu.memory_space<vmem>>, vector<1000x128xf32>,
    return
  }
  func.func @transform_0(%arg0: i32) -> (i32, i32) {
    %c0_i32 = arith.constant 0 : i32
    %c0_i32_0 = arith.constant 0 : i32
    return %arg0, %c0_i32 : i32, i32
  }
  func.func @transform_1(%arg0: i32) -> (i32, i32) {
    %add3A = arith.constant 5 : i32
    %add3A_0 = arith.addi %arg0, %add3A : i32
    %c0_i32 = arith.constant 0 : i32
    %c0_i32_1 = arith.constant 0 : i32
    return %add3A_0, %c0_i32 : i32, i32
  }
  func.func @transform_2(%arg0: i32) -> (i32, i32) {
    %c0_i32 = arith.constant 0 : i32
    %c0_i32_0 = arith.constant 0 : i32
    %c0_i32_1 = arith.constant 0 : i32
    return %c0_i32, %c0_i32_0 : i32, i32
  }
  func.func @transform_3(%arg0: i32) -> (i32, i32) {
    %c0_i32 = arith.constant 0 : i32
    %c0_i32_0 = arith.constant 0 : i32
    return %arg0, %c0_i32 : i32, i32
  }
}

module attributes {stable_mosaic.version = 14 : i64} {
  func.func @_mlp_body(%arg0: i32, %arg1: i32, %arg2: memref<1000x128xf32, #tpu.memory_space<vmem>>, %arg3: memref<1000x128xf32, #tpu.memory_space<vmem>>, %arg4: memref<1x128xf32, #tpu.memory_space<vmem>>, %arg5: memref<128x128xf32, #tpu.memory_space<vmem>>, %arg6: memref<1x128xf32, #tpu.memory_space<vmem>>, %arg7: memref<64x128xf32, #tpu.memory_space<vmem>>, %arg8: memref<1x128xf32, #tpu.memory_space<vmem>>, %arg9: memref<1000x128xf32, #tpu.memory_space<vmem>>) attributes {dimension_semantics = [#tpu.dimension_semantics<arbitrary>, #tpu.dimension_semantics<arbitrary>], iteration_bounds = array<i64: 2, 5>, scalar_prefetch = 0 : i64, scratch_operands = 0 : i64, tpu.core_type = #tpu.core_type<tc>, window_params = [{transform_indices = @transform_0, window_bounds = array<i64: 1000, 128>}, {transform_indices = @transform_1, window_bounds = array<i64: 1000, 128>}, {pipeline_mode = #tpu.pipeline_mode<synchronous>, transform_indices = @transform_2, window_bounds = array<i64: 1, 128>}, {pipeline_mode = #tpu.pipeline_mode<synchronous>, transform_indices = @transform_3, window_bounds = array<i64: 128, 128>}, {pipeline_mode = #tpu.pipeline_mode<synchronous>, transform_indices = @transform_4, window_bounds = array<i64: 1, 128>}, {pipeline_mode = #tpu.pipeline_mode<synchronous>, transform_indices = @transform_5, window_bounds = array<i64: 64, 128>}, {pipeline_mode = #tpu.pipeline_mode<synchronous>, transform_indices = @transform_6, window_bounds = array<i64: 1, 128>}, {transform_indices = @transform_7, window_bounds = array<i64: 1000, 128>}]} {
    %get3A = arith.constant 0 : index
    %get3A_0 = arith.constant 0 : index
    %get3A_1 = vector.load %arg2[%get3A, %get3A_0] : memref<1000x128xf32, #tpu.memory_space<vmem>>, vector<1000x128xf32>
    %get3A_2 = arith.constant 0 : index
    %get3A_3 = arith.constant 0 : index
    %get3A_4 = vector.load %arg3[%get3A_2, %get3A_3] : memref<1000x128xf32, #tpu.memory_space<vmem>>, vector<1000x128xf32>
    %add3A = arith.addf %get3A_1, %get3A_4 : vector<1000x128xf32>
    %get3A_5 = arith.constant 0 : index
    %get3A_6 = arith.constant 0 : index
    %get3A_7 = vector.load %arg4[%get3A_5, %get3A_6] : memref<1x128xf32, #tpu.memory_space<vmem>>, vector<1x128xf32>
    %add3A_8 = vector.broadcast %get3A_7 : vector<1x128xf32> to vector<1000x128xf32>
    %add3A_9 = arith.addf %add3A, %add3A_8 : vector<1000x128xf32>
    %max3A = arith.constant 0.000000e+00 : f32
    %max3A_10 = vector.broadcast %max3A : f32 to vector<1000x128xf32>
    %max3A_11 = arith.maximumf %add3A_9, %max3A_10 : vector<1000x128xf32>
    %get3A_12 = arith.constant 0 : index
    %get3A_13 = arith.constant 0 : index
    %get3A_14 = vector.load %arg5[%get3A_12, %get3A_13] : memref<128x128xf32, #tpu.memory_space<vmem>>, vector<128x128xf32>
    %dot_general3A = arith.constant dense<0.000000e+00> : vector<1000x128xf32>
    %dot_general3A_15 = tpu.matmul %max3A_11, %get3A_14, %dot_general3A {dimension_numbers = #tpu.dot_dimension_numbers<[1], [0], [0], [1], [0, 0, 1, 1], [], []>, transpose_lhs_hint = false} : vector<1000x128xf32>, vector<128x128xf32>, vector<1000x128xf32> -> vector<1000x128xf32>
    %get3A_16 = arith.constant 0 : index
    %get3A_17 = arith.constant 0 : index
    %get3A_18 = vector.load %arg6[%get3A_16, %get3A_17] : memref<1x128xf32, #tpu.memory_space<vmem>>, vector<1x128xf32>
    %add3A_19 = vector.broadcast %get3A_18 : vector<1x128xf32> to vector<1000x128xf32>
    %add3A_20 = arith.addf %dot_general3A_15, %add3A_19 : vector<1000x128xf32>
    %max3A_21 = arith.constant 0.000000e+00 : f32
    %max3A_22 = vector.broadcast %max3A_21 : f32 to vector<1000x128xf32>
    %max3A_23 = arith.maximumf %add3A_20, %max3A_22 : vector<1000x128xf32>
    %get3A_24 = arith.constant 0 : index
    %get3A_25 = arith.constant 0 : index
    %get3A_26 = vector.load %arg7[%get3A_24, %get3A_25] : memref<64x128xf32, #tpu.memory_space<vmem>>, vector<64x128xf32>
    %slice3A = vector.extract_strided_slice %max3A_23 {offsets = [0, 0], sizes = [1000, 64], strides = [1, 1]} : vector<1000x128xf32> to vector<1000x64xf32>
    %dot_general3A_27 = arith.constant dense<0.000000e+00> : vector<1000x128xf32>
    %dot_general3A_28 = tpu.matmul %slice3A, %get3A_26, %dot_general3A_27 {dimension_numbers = #tpu.dot_dimension_numbers<[1], [0], [0], [1], [0, 0, 1, 1], [], []>, transpose_lhs_hint = false} : vector<1000x64xf32>, vector<64x128xf32>, vector<1000x128xf32> -> vector<1000x128xf32>
    %slice3A_29 = vector.extract_strided_slice %max3A_23 {offsets = [0, 64], sizes = [1000, 64], strides = [1, 1]} : vector<1000x128xf32> to vector<1000x64xf32>
    %dot_general3A_30 = arith.constant dense<0.000000e+00> : vector<1000x128xf32>
    %dot_general3A_31 = tpu.matmul %slice3A_29, %get3A_26, %dot_general3A_30 {dimension_numbers = #tpu.dot_dimension_numbers<[1], [0], [0], [1], [0, 0, 1, 1], [], []>, transpose_lhs_hint = false} : vector<1000x64xf32>, vector<64x128xf32>, vector<1000x128xf32> -> vector<1000x128xf32>
    %eq3A = arith.constant 0 : i32
    %eq3A_32 = arith.cmpi eq, %arg0, %eq3A : i32
    %select_n3A = arith.select %eq3A_32, %dot_general3A_28, %dot_general3A_31 : vector<1000x128xf32>
    %get3A_33 = arith.constant 0 : index
    %get3A_34 = arith.constant 0 : index
    %get3A_35 = vector.load %arg8[%get3A_33, %get3A_34] : memref<1x128xf32, #tpu.memory_space<vmem>>, vector<1x128xf32>
    %add3A_36 = vector.broadcast %get3A_35 : vector<1x128xf32> to vector<1000x128xf32>
    %add3A_37 = arith.addf %select_n3A, %add3A_36 : vector<1000x128xf32>
    %swap3A = arith.constant 0 : index
    %swap3A_38 = arith.constant 0 : index
    %swap3A_39 = vector.load %arg9[%swap3A, %swap3A_38] : memref<1000x128xf32, #tpu.memory_space<vmem>>, vector<1000x128xf32>
    tpu.vector_store %arg9[%swap3A, %swap3A_38], %add3A_37 {strides = array<i32>} : memref<1000x128xf32, #tpu.memory_space<vmem>>, vector<1000x128xf32>,
    return
  }
  func.func @transform_0(%arg0: i32, %arg1: i32) -> (i32, i32) {
    %c0_i32 = arith.constant 0 : i32
    %c0_i32_0 = arith.constant 0 : i32
    return %arg1, %c0_i32 : i32, i32
  }
  func.func @transform_1(%arg0: i32, %arg1: i32) -> (i32, i32) {
    %add3A = arith.constant 5 : i32
    %add3A_0 = arith.addi %arg1, %add3A : i32
    %c0_i32 = arith.constant 0 : i32
    %c0_i32_1 = arith.constant 0 : i32
    return %add3A_0, %c0_i32 : i32, i32
  }
  func.func @transform_2(%arg0: i32, %arg1: i32) -> (i32, i32) {
    %c0_i32 = arith.constant 0 : i32
    %c0_i32_0 = arith.constant 0 : i32
    %c0_i32_1 = arith.constant 0 : i32
    return %c0_i32, %c0_i32_0 : i32, i32
  }
  func.func @transform_3(%arg0: i32, %arg1: i32) -> (i32, i32) {
    %c0_i32 = arith.constant 0 : i32
    %c0_i32_0 = arith.constant 0 : i32
    %c0_i32_1 = arith.constant 0 : i32
    return %c0_i32, %c0_i32_0 : i32, i32
  }
  func.func @transform_4(%arg0: i32, %arg1: i32) -> (i32, i32) {
    %c0_i32 = arith.constant 0 : i32
    %c0_i32_0 = arith.constant 0 : i32
    %c0_i32_1 = arith.constant 0 : i32
    return %c0_i32, %c0_i32_0 : i32, i32
  }
  func.func @transform_5(%arg0: i32, %arg1: i32) -> (i32, i32) {
    %c0_i32 = arith.constant 0 : i32
    %c0_i32_0 = arith.constant 0 : i32
    %c0_i32_1 = arith.constant 0 : i32
    return %c0_i32, %c0_i32_0 : i32, i32
  }
  func.func @transform_6(%arg0: i32, %arg1: i32) -> (i32, i32) {
    %c0_i32 = arith.constant 0 : i32
    %c0_i32_0 = arith.constant 0 : i32
    %c0_i32_1 = arith.constant 0 : i32
    return %c0_i32, %c0_i32_0 : i32, i32
  }
  func.func @transform_7(%arg0: i32, %arg1: i32) -> (i32, i32) {
    %mul3A = arith.constant 5 : i32
    %mul3A_0 = arith.muli %arg0, %mul3A : i32
    %add3A = arith.addi %mul3A_0, %arg1 : i32
    %c0_i32 = arith.constant 0 : i32
    %c0_i32_1 = arith.constant 0 : i32
    return %add3A, %c0_i32 : i32, i32
  }
}

</mosaic_0001>

<sc_bundles>
// kernel: _impl.5.cloned.1.call-start
scs
__scs_entry_jumppad:
0x0: {  	(pc) =	sbr.rel $0x88, $3  }
0x1: {  	(tag) =	ssettag $0x0;
	lr =	simm.s32 $0x1  }
0x2: {  	[smem:$0x3F99] =	sst lr;
	_ =	strace $0xD0000000  }
0x3: {  	_ = 	snop  }
0x4: {  	_ = 	snop  }
0x5: {  	_ = 	snop  }
0x6: {  	_ = 	snop  }
0x7: {  	_ = 	snop  }
__scs_overlays_trampoline_lowered:
0x8: {  	[smem:$0x3FA8] =	sst s0  }
0x9: {  	[smem:$0x3FA9] =	sst s1  }
0xa: {  	[smem:$0x3FAA] =	sst s2  }
0xb: {  	[smem:$0x3FAB] =	sst s3  }
0xc: {  	[smem:$0x3FAC] =	sst s4  }
0xd: {  	[smem:$0x3FAD] =	sst s5  }
0xe: {  	[smem:$0x3FAE] =	sst s6  }
0xf: {  	[smem:$0x3FAF] =	sst s7  }
0x10: {  	[smem:$0x3FB0] =	sst s8  }
0x11: {  	[smem:$0x3FB1] =	sst s9;
	s0 =	simm.s32 @!p0 $0x0  }
0x12: {  	s1 =	sld [smem:$0x3F97];
	s0 =	simm.s32 @p0 $0x1  }
0x13: {  	[smem:$0x3FB2] =	sst s0;
	s0 =	simm.s32 @!p1 $0x0  }
0x14: {  	s2 =	sld [smem:$0x3F96];
	s0 =	simm.s32 @p1 $0x1  }
0x15: {  	[smem:$0x3FB3] =	sst s0;
	s0 =	simm.s32 @!p2 $0x0  }
0x16: {  	s3 =	sld [smem:$0x3FDB];
	s0 =	simm.s32 @p2 $0x1  }
0x17: {  	s4 =	simm.s32 $0x1BF5;
	[smem:$0x3FB5] =	sst s0  }
0x18: {  	s0 =	sld [smem:$0x3F98];
	_ =	swait.ge [sflag:s4], $0x0  }
0x19: {  	s7 =	sld [smem:$0x3F99]  }
0x1a: {  	s8 =	sadd.s32 $0xFFFFE003, lr  }
0x1b: {  	s9 =	sadd.s32 $0xFFFFFEF7, lr;
	s5 =	simm.s32 $0xFFFFFFFF;
	p2 =	slt.u32 s8, $0xFFFFF086  }
0x1c: {  	p1 =	slt.u32 s9, $0xF7A;
	s5 =	simm.s32 @!p2 $0x0  }
0x1d: {  	s5 =	simm.s32 @p1 $0x1;
	p0 =	seq.s32 s7, s2  }
0x1e: {  	s7 =	smul.u32 @!p0 $0xF7A, s2;
	p2 =	seq.s32 @!p0 s5, $0x0  }
0x1f: {  	s9 =	smul.u32 $0xF7A, s1;
	s8 =	simm.s32 @!p0 $0x1BF5;
	p2 =	por !p2, p0  }
0x20: {  	[sflag:s8] =	ssyncset.s32 @!p0 $0xFFFFF086;
	s6 =	sadd.s32 @!p0 s3, s7;
	s7 =	simm.s32 @!p0 $0x108  }
0x21: {  	s3 =	sadd.s32 s3, s9;
	s6 =	sadd.s32 @!p0 $0x88, s6;
	s7 =	simm.s32 @p2 $0x1082  }
0x22: {  	[simem:s7], [sflag:s8] =	dma.local @!p0 [hbm:s6], $0xF7A  }
0x23: {  	s9 =	sor.u32 $0xD0000000, s2;
	s6 =	simm.s32 $0x108;
	_ =	swait.ge @!p0 [sflag:s8], $0x0  }
0x24: {  	s3 =	sadd.s32 $0x88, s3;
	s6 =	simm.s32 @!p1 $0x1082;
	[sflag:s4] =	ssyncset.s32 $0xFFFFF086  }
0x25: {  	[simem:s6], [sflag:s4] =	dma.local [hbm:s3], $0xF7A  }
0x26: {  	[smem:$0x3F99] =	sst s1;
	(tag) =	ssettag s2;
	_ =	strace s9  }
0x27: {  	s1 =	sld [smem:$0x3FA9]  }
0x28: {  	s2 =	sld [smem:$0x3FAA]  }
0x29: {  	s4 =	sld [smem:$0x3FAC]  }
0x2a: {  	p0 =	seq.s32 s5, $0x0;
	s5 =	sld [smem:$0x3FAD]  }
0x2b: {  	s6 =	sld [smem:$0x3FAE]  }
0x2c: {  	s7 =	sld [smem:$0x3FAF]  }
0x2d: {  	s3 =	simm.s32 $0x108;
	s8 =	sld [smem:$0x3FB0]  }
0x2e: {  	s3 =	simm.s32 @!p0 $0x1082;
	s9 =	sld [smem:$0x3FB1]  }
0x2f: {  	lr =	sadd.s32 s0, s3;
	s0 =	sld [smem:$0x3FA8]  }
0x30: {  	s3 =	sld [smem:$0x3FAB]  }
0x31: {  	[smem:$0x3FB4] =	sst s10  }
0x32: {  	s10 =	sld [smem:$0x3FB2];
	_ =	sdelay $0x3  }
0x33: {  	p0 =	seq.s32 s10, $0x1;
	s10 =	sld [smem:$0x3FB4];
	_ =	sdelay $0x3  }
0x34: {  	[smem:$0x3FB4] =	sst s10  }
0x35: {  	s10 =	sld [smem:$0x3FB3];
	_ =	sdelay $0x3  }
0x36: {  	p1 =	seq.s32 s10, $0x1;
	s10 =	sld [smem:$0x3FB4];
	_ =	sdelay $0x3  }
0x37: {  	[smem:$0x3FB4] =	sst s10  }
0x38: {  	s10 =	sld [smem:$0x3FB5]  }
0x39: {  	_ = 	snop;
	(pc) =	sbr.ind lr, $3  }
0x3a: {  	_ = 	snop  }
0x3b: {  	_ = 	snop  }
0x3c: {  	p2 =	seq.s32 s10, $0x1;
	s10 =	sld [smem:$0x3FB4]  }
0x3d: {  	_ =	shalt  }
0x3e: {  	_ =	shalt  }
0x3f: {  	_ =	shalt  }
0x40: {  	_ =	shalt  }
0x41: {  	_ =	shalt  }
0x42: {  	_ =	shalt  }
0x43: {  	_ =	shalt  }
0x44: {  	_ =	shalt  }
0x45: {  	_ =	shalt  }
0x46: {  	_ =	shalt  }
0x47: {  	_ =	shalt  }
0x48: {  	_ =	shalt  }
0x49: {  	_ =	shalt  }
0x4a: {  	_ =	shalt  }
0x4b: {  	_ =	shalt  }
0x4c: {  	_ =	shalt  }
0x4d: {  	_ =	shalt  }
0x4e: {  	_ =	shalt  }
0x4f: {  	_ =	shalt  }
0x50: {  	_ =	shalt  }
0x51: {  	_ =	shalt  }
0x52: {  	_ =	shalt  }
0x53: {  	_ =	shalt  }
0x54: {  	_ =	shalt  }
0x55: {  	_ =	shalt  }
0x56: {  	_ =	shalt  }
0x57: {  	_ =	shalt  }
0x58: {  	_ =	shalt  }
0x59: {  	_ =	shalt  }
0x5a: {  	_ =	shalt  }
0x5b: {  	_ =	shalt  }
0x5c: {  	_ =	shalt  }
0x5d: {  	_ =	shalt  }
0x5e: {  	_ =	shalt  }
0x5f: {  	_ =	shalt  }
0x60: {  	_ =	shalt  }
0x61: {  	_ =	shalt  }
0x62: {  	_ =	shalt  }
0x63: {  	_ =	shalt  }
0x64: {  	_ =	shalt  }
0x65: {  	_ =	shalt  }
0x66: {  	_ =	shalt  }
0x67: {  	_ =	shalt  }
0x68: {  	_ =	shalt  }
0x69: {  	_ =	shalt  }
0x6a: {  	_ =	shalt  }
0x6b: {  	_ =	shalt  }
0x6c: {  	_ =	shalt  }
0x6d: {  	_ =	shalt  }
0x6e: {  	_ =	shalt  }
0x6f: {  	_ =	shalt  }
0x70: {  	_ =	shalt  }
0x71: {  	_ =	shalt  }
0x72: {  	_ =	shalt  }
0x73: {  	_ =	shalt  }
0x74: {  	_ =	shalt  }
0x75: {  	_ =	shalt  }
0x76: {  	_ =	shalt  }
0x77: {  	_ =	shalt  }
0x78: {  	_ =	shalt  }
0x79: {  	_ =	shalt  }
0x7a: {  	_ =	shalt  }
0x7b: {  	_ =	shalt  }
0x7c: {  	_ =	shalt  }
0x7d: {  	_ =	shalt  }
0x7e: {  	_ =	shalt  }
0x7f: {  	_ =	shalt  }
0x80: {  	_ =	shalt  }
0x81: {  	_ =	shalt  }
0x82: {  	_ =	shalt  }
0x83: {  	_ =	shalt  }
0x84: {  	_ =	shalt  }
0x85: {  	_ =	shalt  }
0x86: {  	_ =	shalt  }
0x87: {  	_ =	shalt  }
.Lfunc_end0:
.L_simem_size_0:
called_computation_lowered:
.L_overlay_start_0:
0x88: {  	s2 =	sld [smem:$0x3FD9]  }
0x89: {  	s3 =	sld [smem:$0x3FFE];
	_ =	sdelay $0x1  }
0x8a: {  	s1 =	srdreg.scid  }
0x8b: {  	s0 =	sand.u32 $0x1, s1  }
0x8c: {  	s17 =	sshll.u32 s0, $0xA;
	s2 =	sadd.s32 s3, s2  }
0x8d: {  	s2 =	sadd.s32 s2, s17  }
0x8e: {  	[smem:$0x3FC0] =	sst s2  }
0x8f: {  	_ = 	snop  }
0x90: {  	s2 =	sld [smem:$0x3FD0];
	(tm) =	ssettm $0x1  }
0x91: {  	s18 =	sld [smem:$0x3FFB];
	_ =	sdelay $0x3  }
0x92: {  	_ =	strace s18  }
0x93: {  	s3 =	sld [smem:$0x3FFC];
	_ =	sdelay $0x3  }
0x94: {  	_ =	strace s3  }
0x95: {  	s3 =	sld [smem:$0x3FFD];
	_ =	sdelay $0x3  }
0x96: {  	_ =	strace s3  }
0x97: {  	_ =	strace $0x8FFFFFFF  }
0x98: {  	s19 =	sld [smem:$0x3FDB];
	_ =	sdelay $0x1  }
0x99: {  	s4 =	simm.s32 $_scs_section_size  }
0x9a: {  	s5 =	simm.s32 $_size__tile_overlayer_lowered;
	s6 =	simm.s32 $_tile_overlayer_lowered  }
0x9b: {  	s22 =	simm.s32 $0x1BFF;
	s21 =	sshll.u32 s6, $0x1;
	s3 =	sadd.s32 s4, s19  }
0x9c: {  	s7 =	simm.s32 $0x0;
	s20 =	sshll.u32 s5, $0x1;
	s5 =	sadd.s32 s21, s3  }
0x9d: {  	[timem:s7], [sflag:s22] =	dma.local [hbm:s5], s20  }
0x9e: {  	_ =	swait.ge [sflag:s22], s20  }
0x9f: {  	s4 =	ssub.s32 $0x0, s20;
	[sflag:s22] =	ssyncset.done $0x0  }
0xa0: {  	[sflag:s22] =	ssyncadd.s32 s4;
	_ =	sdelay $0x1  }
0xa1: {  	s23 =	simm.s32 $0x1B8B  }
0xa2: {  	_ =	swait.ge [sflag:s23], $0x1  }
0xa3: {  	[sflag:s23] =	ssyncset.done $0x0  }
0xa4: {  	s25 =	simm.s32 $0x1B8E;
	s24 =	sld [smem:$0x3FFE];
	[sflag:s23] =	ssyncadd.s32 $0xFFFFFFFF  }
0xa5: {  	s26 =	simm.s32 $execute0_lowered;
	[smem:$0x3FD2] =	sst s25  }
0xa6: {  	s5 =	sshll.u32 s26, $0x1;
	_ =	strace $0x80000046;
	[dreg:$0x1] =	wrdreg $0xFFFFFFFF  }
0xa7: {  	s28 =	simm.s32 $_size_execute0_lowered;
	s3 =	sadd.s32 s3, s5;
	[dreg:$0x0] =	wrdreg $0x0  }
0xa8: {  	s5 =	sshll.u32 s28, $0x1;
	[dreg:$0x2] =	wrdreg s3  }
0xa9: {  	[dreg:$0x3] =	wrdreg s5  }
0xaa: {  	[dreg:$0x4] =	wrdreg $0xC0  }
0xab: {  	_ =	task [dreg:s7], $0x5FFFF  }
0xac: {  	[dreg:$0x1] =	wrdreg $0xFFFFFFFF  }
0xad: {  	[dreg:$0x0] =	wrdreg $0x60  }
0xae: {  	[dreg:$0x2] =	wrdreg s24  }
0xaf: {  	[dreg:$0x3] =	wrdreg s2  }
0xb0: {  	[dreg:$0x4] =	wrdreg $0x14A000  }
0xb1: {  	[dreg:$0x5] =	wrdreg $0x9  }
0xb2: {  	_ =	task.clear_ibuf [dreg:s7], $0x6FFFF;
	_ =	strace $0x90000046  }
0xb3: {  	s29 =	simm.s32 $0x9;
	_ =	strace $0x80000048  }
0xb4: {  	_ =	swait.ge [sflag:s29], $0x1  }
0xb5: {  	[sflag:s29] =	ssyncadd.s32 $0xFFFFFFFF  }
0xb6: {  	_ =	strace $0x90000048  }
0xb7: {  	_ =	sfence  }
0xb8: {  	s30 =	sld [smem:$0x0];
	_ =	sdelay $0x2  }
0xb9: {  	s31 =	sshll.u32 s1, $0xD;
	s1 =	sshrl.u32 s1, $0x2  }
0xba: {  	s3 =	sand.u32 $0x4000, s31;
	s1 =	sadd.s32 s1, s30  }
0xbb: {  	s0 =	sor.u32 s3, s0;
	s1 =	sshll.u32 s1, $0x11  }
0xbc: {  	s0 =	sor.u32 s1, s0  }
0xbd: {  	s0 =	sadd.s32 $0x8F2B, s0  }
0xbe: {  	[sflag:s0] =	ssyncadd.remote.s32 $0x1  }
0xbf: {  	_ =	sfence.sel $0xFFFF  }
0xc0: {  	[dreg:$0x0] =	wrdreg $0xFFFFFFFF;
	(pc) =	sbr.abs _section_cstart, $3  }
0xc1: {  	[dreg:$0x1] =	wrdreg $0xFFFFFFFF  }
0xc2: {  	_ =	task.clear_ibuf [dreg:s7], $0x2FFFF;
	_ =	strace $0x9FFFFFFF  }
0xc3: {  	(tm) =	ssettm $0x7FFFFFFF  }
tec
execute0_lowered:
.L_overlay_start_1:
0x0: {  	(tag) =	ssettag $0x1  }
0x1: {  	s0 =	rddreg [dreg:$0x0]  }
0x2: {  	s1 =	rddreg [dreg:$0x1]  }
0x3: {  	s2 =	rddreg [dreg:$0x2]  }
0x4: {  	s3 =	srdreg.scid;
	s8 =	stileid.u32;
	s5 =	simm.s32 $0x0  }
0x5: {  	s16 =	simm.s32 $0x5000;
	s28 =	simm.s32 $0x2;
	s29 =	simm.s32 $0x3  }
0x6: {  	s30 =	simm.s32 $0x4;
	s31 =	simm.s32 $0x5;
	s15 =	simm.s32 $0x7  }
0x7: {  	s10 =	simm.s32 $0xE;
	s11 =	simm.s32 $0xF;
	s12 =	simm.s32 $0x10  }
0x8: {  	s14 =	simm.s32 $0x0;
	s3 =	sand.u32 $0x1, s3;
	s7 =	smul.u32 $0x27100, s8  }
0x9: {  	s4 =	sshll.u32 s8, $0x1;
	[smem:$0x7FF] =	sst s5;
	s20 =	smul.u32 $0xFA00, s8  }
0xa: {  	p0 =	sgt.u32 s8, $0x9;
	s8 =	simm.s32 $0xC;
	s4 =	sor.u32 s3, s4  }
0xb: {  	_ =	strace $0x80000047;
	s6 =	ssub.s32 $0x2, s3;
	s3 =	smul.u32 $0x9C400, s3  }
0xc: {  	s17 =	smul.u32 $0x500, s4;
	s18 =	sshrl.u32 s6, $0x1;
	s19 =	sshrl.u32 s7, $0x2  }
0xd: {  	s4 =	sadd.s32 $0x14C00, s0;
	s5 =	ssub.s32 s6, s18;
	s6 =	sadd.s32 s19, s2  }
0xe: {  	s23 =	sadd.s32 s20, s3;
	s18 =	simm.s32 $0x6F40;
	s19 =	simm.s32 $0x8E80  }
0xf: {  	s3 =	simm.s32 $0x9;
	s21 =	sadd.s32 $0x1F40, s6;
	[dreg:$0x6] =	wrdreg s6  }
0x10: {  	s0 =	sadd.s32 s17, s0;
	s22 =	sadd.s32 $0x3E80, s6;
	[dreg:$0x7] =	wrdreg s21  }
0x11: {  	s24 =	sadd.s32 $0x5DC0, s6;
	s25 =	sadd.s32 $0x7D00, s6;
	[dreg:$0x8] =	wrdreg s22  }
0x12: {  	s26 =	smax.u32 s5, $0x1;
	s17 =	simm.s32 $0x7D;
	[dreg:$0x9] =	wrdreg s24  }
0x13: {  	s5 =	simm.s32 $0xA;
	s6 =	simm.s32 $0xB;
	[dreg:$0xa] =	wrdreg s25  }
0x14: {  	s9 =	sadd.s32 $0xAC00, s0;
	s0 =	sadd.s32 $0xC00, s0;
	[dreg:$0xc] =	wrdreg s26  }
0x15: {  	s25 =	simm.s32 $0x11;
	s21 =	simm.s32 $0xCD00;
	s22 =	simm.s32 $0xEC40  }
0x16: {  	s24 =	simm.s32 $0x12AC0;
	[dreg:$0x5] =	wrdreg s0;
	s0 =	sshrl.u32 s23, $0x3  }
0x17: {  	s26 =	simm.s32 $0x1;
	[dreg:$0x4] =	wrdreg s9;
	s0 =	sadd.s32 s1, s0  }
0x18: {  	s23 =	simm.s32 $0x10B80;
	[dreg:$0xb] =	wrdreg s0;
	s0 =	sadd.s32 s20, s2  }
0x19: {  	s9 =	simm.s32 $0xD;
	s1 =	simm.s32 $0x8;
	s0 =	sshrl.u32 @!p0 s0, $0x3  }
0x1a: {  	v0 =	vimm.f32 $0.0e+00;
	s20 =	simm.s32 $0xADC0;
	[dreg:$0xd] =	wrdreg s0;
	s0 =	simm.s32 $0x6  }
.LBB2_1:
0x1b: {  	[dreg:$0xe] =	wrdreg s14  }
0x1c: {  	s7 =	simm.s32 $0x0;
	s13 =	rddreg [dreg:$0x4]  }
0x1d: {  	[tilespmem:s7], [sflag:$0x11] =	stream.linear.gather [hbm4b:s13+s7], $0x2800, $0x38;
	[tilespmem:$0x1E640] =	vst v63  }
0x1e: {  	_ =	swait.ge [sflag:s25], $0x2800  }
0x1f: {  	[sflag:s25] =	ssyncset.done $0x0  }
0x20: {  	s14 =	simm.s32 $0x2800;
	s13 =	rddreg [dreg:$0x5];
	[sflag:s25] =	ssyncadd.s32 $0xFFFFD800  }
0x21: {  	[tilespmem:s14], [sflag:$0x11] =	stream.linear.gather [hbm4b:s13+s7], $0x2800, $0x38;
	[tilespmem:$0x1E640] =	vst v63  }
0x22: {  	_ =	swait.ge [sflag:s25], $0x2800  }
0x23: {  	[sflag:s25] =	ssyncset.done $0x0  }
0x24: {  	s13 =	simm.s32 $0x100;
	s7 =	simm.s32 $0x0;
	[sflag:s25] =	ssyncadd.s32 $0xFFFFD800  }
.LBB2_2:
0x25: {  	p1 =	sne.s32 s13, $0x7C00;
	[tilespmem:s7+$0x5030] =	vst v0;
	s14 =	smov.u32 s13;
	s13 =	sadd.s32 $0x100, s13  }
.Ltmp0:
0x26: {  	[tilespmem:s7+$0x5020] =	vst v0;
	(pc) =	sbr.rel @p1 .LBB2_2-.Ltmp0, $3  }
0x27: {  	[tilespmem:s7+$0x5000] =	vst v0  }
0x28: {  	[tilespmem:s7+$0x5010] =	vst v0;
	_ =	sdelay $0x1  }
0x29: {  	s7 =	sshra.s32 s14, $0x2  }
0x2a: {  	[tilespmem:s7+$0x5030] =	vst v0  }
0x2b: {  	[tilespmem:s7+$0x5020] =	vst v0  }
0x2c: {  	[tilespmem:s7+$0x5000] =	vst v0  }
0x2d: {  	[tilespmem:s7+$0x5010] =	vst v0;
	s14 =	rddreg [dreg:$0x6]  }
0x2e: {  	[spmem:s14] =	stream.linear.scatter [tilespmem:s16], [sflag:$0x11], $0x1F40, $0x38;
	[tilespmem:$0x1E640] =	vst v63  }
0x2f: {  	_ =	swait.ge [sflag:s25], $0x1F40  }
0x30: {  	[sflag:s25] =	ssyncset.done $0x0  }
0x31: {  	s13 =	rddreg [dreg:$0x7];
	[sflag:s25] =	ssyncadd.s32 $0xFFFFE0C0  }
0x32: {  	[spmem:s13] =	stream.linear.scatter [tilespmem:s16], [sflag:$0x11], $0x1F40, $0x38;
	[tilespmem:$0x1E640] =	vst v63  }
0x33: {  	_ =	swait.ge [sflag:s25], $0x1F40  }
0x34: {  	[sflag:s25] =	ssyncset.done $0x0  }
0x35: {  	s14 =	rddreg [dreg:$0x8];
	[sflag:s25] =	ssyncadd.s32 $0xFFFFE0C0  }
0x36: {  	[spmem:s14] =	stream.linear.scatter [tilespmem:s16], [sflag:$0x11], $0x1F40, $0x38;
	[tilespmem:$0x1E640] =	vst v63  }
0x37: {  	_ =	swait.ge [sflag:s25], $0x1F40  }
0x38: {  	[sflag:s25] =	ssyncset.done $0x0  }
0x39: {  	s13 =	rddreg [dreg:$0x9];
	[sflag:s25] =	ssyncadd.s32 $0xFFFFE0C0  }
0x3a: {  	[spmem:s13] =	stream.linear.scatter [tilespmem:s16], [sflag:$0x11], $0x1F40, $0x38;
	[tilespmem:$0x1E640] =	vst v63  }
0x3b: {  	_ =	swait.ge [sflag:s25], $0x1F40  }
0x3c: {  	[sflag:s25] =	ssyncset.done $0x0  }
0x3d: {  	s14 =	rddreg [dreg:$0xa];
	[sflag:s25] =	ssyncadd.s32 $0xFFFFE0C0  }
0x3e: {  	[spmem:s14] =	stream.linear.scatter [tilespmem:s16], [sflag:$0x11], $0x1F40, $0x38;
	[tilespmem:$0x1E640] =	vst v63  }
0x3f: {  	_ =	swait.ge [sflag:s25], $0x1F40  }
0x40: {  	[sflag:s25] =	ssyncset.done $0x0  }
0x41: {  	[sflag:s25] =	ssyncadd.s32 $0xFFFFE0C0  }
0x42: {  	s25 =	simm.s32 $0x0;
	[bflag:$0x0] =	sbarrier.arrive $0xFFFF  }
0x43: {  	[tilespmem:s16], [sflag:$0x1] =	stream.indirect.gather [hbm4b:s4+s17], $0x40, s25, s17, $0xb8;
	[tilespmem:$0x1E640] =	vst v63  }
0x44: {  	s13 =	simm.s32 $0x80  }
0x45: {  	[tilespmem:s18], [sflag:$0x2] =	stream.indirect.gather [hbm4b:s4+s17], $0x40, s13, s17, $0xb8;
	[tilespmem:$0x1E640] =	vst v63  }
0x46: {  	s14 =	simm.s32 $0x100  }
0x47: {  	[tilespmem:s19], [sflag:$0x3] =	stream.indirect.gather [hbm4b:s4+s17], $0x40, s14, s17, $0xb8;
	[tilespmem:$0x1E640] =	vst v63  }
0x48: {  	s25 =	simm.s32 $0x180  }
0x49: {  	[tilespmem:s20], [sflag:$0x4] =	stream.indirect.gather [hbm4b:s4+s17], $0x40, s25, s17, $0xb8;
	[tilespmem:$0x1E640] =	vst v63  }
0x4a: {  	s13 =	simm.s32 $0x200  }
0x4b: {  	[tilespmem:s21], [sflag:$0x5] =	stream.indirect.gather [hbm4b:s4+s17], $0x40, s13, s17, $0xb8;
	[tilespmem:$0x1E640] =	vst v63  }
0x4c: {  	s14 =	simm.s32 $0x280  }
0x4d: {  	[tilespmem:s22], [sflag:$0x6] =	stream.indirect.gather [hbm4b:s4+s17], $0x40, s14, s17, $0xb8;
	[tilespmem:$0x1E640] =	vst v63  }
0x4e: {  	s25 =	simm.s32 $0x300  }
0x4f: {  	[tilespmem:s23], [sflag:$0x7] =	stream.indirect.gather [hbm4b:s4+s17], $0x40, s25, s17, $0xb8;
	[tilespmem:$0x1E640] =	vst v63  }
0x50: {  	s13 =	simm.s32 $0x380  }
0x51: {  	[tilespmem:s24], [sflag:$0x8] =	stream.indirect.gather [hbm4b:s4+s17], $0x40, s13, s17, $0xb8;
	[tilespmem:$0x1E640] =	vst v63  }
0x52: {  	_ =	swait.ge [sflag:s26], $0x1F40  }
0x53: {  	[sflag:s26] =	ssyncset.done $0x0  }
0x54: {  	s14 =	simm.s32 $0x2800;
	[sflag:s26] =	ssyncadd.s32 $0xFFFFE0C0  }
0x55: {  	[spmem:s2] =	stream.indirect.scatter.add.f32 [tilespmem:s16], [sflag:$0x9], $0x40, s14, s17, $0xb8;
	[tilespmem:$0x1E640] =	vst v63  }
0x56: {  	_ =	swait.ge [sflag:s28], $0x1F40  }
0x57: {  	[sflag:s28] =	ssyncset.done $0x0  }
0x58: {  	s25 =	simm.s32 $0x2880;
	[sflag:s28] =	ssyncadd.s32 $0xFFFFE0C0  }
0x59: {  	[spmem:s2] =	stream.indirect.scatter.add.f32 [tilespmem:s18], [sflag:$0xA], $0x40, s25, s17, $0xb8;
	[tilespmem:$0x1E640] =	vst v63  }
0x5a: {  	_ =	swait.ge [sflag:s29], $0x1F40  }
0x5b: {  	[sflag:s29] =	ssyncset.done $0x0  }
0x5c: {  	s13 =	simm.s32 $0x2900;
	[sflag:s29] =	ssyncadd.s32 $0xFFFFE0C0  }
0x5d: {  	[spmem:s2] =	stream.indirect.scatter.add.f32 [tilespmem:s19], [sflag:$0xB], $0x40, s13, s17, $0xb8;
	[tilespmem:$0x1E640] =	vst v63  }
0x5e: {  	_ =	swait.ge [sflag:s30], $0x1F40  }
0x5f: {  	[sflag:s30] =	ssyncset.done $0x0  }
0x60: {  	s14 =	simm.s32 $0x2980;
	[sflag:s30] =	ssyncadd.s32 $0xFFFFE0C0  }
0x61: {  	[spmem:s2] =	stream.indirect.scatter.add.f32 [tilespmem:s20], [sflag:$0xC], $0x40, s14, s17, $0xb8;
	[tilespmem:$0x1E640] =	vst v63  }
0x62: {  	_ =	swait.ge [sflag:s31], $0x1F40  }
0x63: {  	[sflag:s31] =	ssyncset.done $0x0  }
0x64: {  	s25 =	simm.s32 $0x2A00;
	[sflag:s31] =	ssyncadd.s32 $0xFFFFE0C0  }
0x65: {  	[spmem:s2] =	stream.indirect.scatter.add.f32 [tilespmem:s21], [sflag:$0xD], $0x40, s25, s17, $0xb8;
	[tilespmem:$0x1E640] =	vst v63  }
0x66: {  	_ =	swait.ge [sflag:s0], $0x1F40  }
0x67: {  	[sflag:s0] =	ssyncset.done $0x0  }
0x68: {  	s13 =	simm.s32 $0x2A80;
	[sflag:s0] =	ssyncadd.s32 $0xFFFFE0C0  }
0x69: {  	[spmem:s2] =	stream.indirect.scatter.add.f32 [tilespmem:s22], [sflag:$0xE], $0x40, s13, s17, $0xb8;
	[tilespmem:$0x1E640] =	vst v63  }
0x6a: {  	_ =	swait.ge [sflag:s15], $0x1F40  }
0x6b: {  	[sflag:s15] =	ssyncset.done $0x0  }
0x6c: {  	s14 =	simm.s32 $0x2B00;
	[sflag:s15] =	ssyncadd.s32 $0xFFFFE0C0  }
0x6d: {  	[spmem:s2] =	stream.indirect.scatter.add.f32 [tilespmem:s23], [sflag:$0xF], $0x40, s14, s17, $0xb8;
	[tilespmem:$0x1E640] =	vst v63  }
0x6e: {  	_ =	swait.ge [sflag:s1], $0x1F40  }
0x6f: {  	[sflag:s1] =	ssyncset.done $0x0  }
0x70: {  	s25 =	simm.s32 $0x2B80;
	[sflag:s1] =	ssyncadd.s32 $0xFFFFE0C0  }
0x71: {  	[spmem:s2] =	stream.indirect.scatter.add.f32 [tilespmem:s24], [sflag:$0x10], $0x40, s25, s17, $0xb8;
	[tilespmem:$0x1E640] =	vst v63  }
0x72: {  	_ =	swait.ge [sflag:s3], $0x1F40  }
0x73: {  	[sflag:s3] =	ssyncset.done $0x0  }
0x74: {  	[sflag:s3] =	ssyncadd.s32 $0xFFFFE0C0  }
0x75: {  	_ =	swait.ge [sflag:s5], $0x1F40  }
0x76: {  	[sflag:s5] =	ssyncset.done $0x0  }
0x77: {  	[sflag:s5] =	ssyncadd.s32 $0xFFFFE0C0  }
0x78: {  	_ =	swait.ge [sflag:s6], $0x1F40  }
0x79: {  	[sflag:s6] =	ssyncset.done $0x0  }
0x7a: {  	[sflag:s6] =	ssyncadd.s32 $0xFFFFE0C0  }
0x7b: {  	_ =	swait.ge [sflag:s8], $0x1F40  }
0x7c: {  	[sflag:s8] =	ssyncset.done $0x0  }
0x7d: {  	[sflag:s8] =	ssyncadd.s32 $0xFFFFE0C0  }
0x7e: {  	_ =	swait.ge [sflag:s9], $0x1F40  }
0x7f: {  	[sflag:s9] =	ssyncset.done $0x0  }
0x80: {  	[sflag:s9] =	ssyncadd.s32 $0xFFFFE0C0  }
0x81: {  	_ =	swait.ge [sflag:s10], $0x1F40  }
0x82: {  	[sflag:s10] =	ssyncset.done $0x0  }
0x83: {  	[sflag:s10] =	ssyncadd.s32 $0xFFFFE0C0  }
0x84: {  	_ =	swait.ge [sflag:s11], $0x1F40  }
0x85: {  	[sflag:s11] =	ssyncset.done $0x0  }
0x86: {  	[sflag:s11] =	ssyncadd.s32 $0xFFFFE0C0  }
0x87: {  	_ =	swait.ge [sflag:s12], $0x1F40  }
0x88: {  	s7 =	simm.s32 $0x2000;
	s25 =	simm.s32 $0x1000;
	[sflag:s12] =	ssyncset.done $0x0  }
.LBB2_4:
0x89: {  	s13 =	sshra.s32 s25, $0x2  }
0x8a: {  	[sflag:s12] =	ssyncadd.s32 $0xFFFFE0C0;
	s25 =	smov.u32 s7;
	s14 =	sadd.s32 $0x1000, s7  }
0x8b: {  	[tilespmem:s16], [sflag:$0x1] =	stream.indirect.gather [hbm4b:s4+s17], $0x40, s13, s17, $0xb8;
	[tilespmem:$0x1E640] =	vst v63  }
0x8c: {  	p1 =	sne.s32 s7, $0x9000;
	s7 =	sadd.s32 $0x80, s13  }
0x8d: {  	[tilespmem:s18], [sflag:$0x2] =	stream.indirect.gather [hbm4b:s4+s17], $0x40, s7, s17, $0xb8;
	[tilespmem:$0x1E640] =	vst v63  }
0x8e: {  	s7 =	sadd.s32 $0x100, s13  }
0x8f: {  	[tilespmem:s19], [sflag:$0x3] =	stream.indirect.gather [hbm4b:s4+s17], $0x40, s7, s17, $0xb8;
	[tilespmem:$0x1E640] =	vst v63  }
0x90: {  	s7 =	sadd.s32 $0x180, s13  }
0x91: {  	[tilespmem:s20], [sflag:$0x4] =	stream.indirect.gather [hbm4b:s4+s17], $0x40, s7, s17, $0xb8;
	[tilespmem:$0x1E640] =	vst v63  }
0x92: {  	s7 =	sadd.s32 $0x200, s13  }
0x93: {  	[tilespmem:s21], [sflag:$0x5] =	stream.indirect.gather [hbm4b:s4+s17], $0x40, s7, s17, $0xb8;
	[tilespmem:$0x1E640] =	vst v63  }
0x94: {  	s7 =	sadd.s32 $0x280, s13  }
0x95: {  	[tilespmem:s22], [sflag:$0x6] =	stream.indirect.gather [hbm4b:s4+s17], $0x40, s7, s17, $0xb8;
	[tilespmem:$0x1E640] =	vst v63  }
0x96: {  	s7 =	sadd.s32 $0x300, s13  }
0x97: {  	[tilespmem:s23], [sflag:$0x7] =	stream.indirect.gather [hbm4b:s4+s17], $0x40, s7, s17, $0xb8;
	[tilespmem:$0x1E640] =	vst v63  }
0x98: {  	s7 =	sadd.s32 $0x380, s13  }
0x99: {  	[tilespmem:s24], [sflag:$0x8] =	stream.indirect.gather [hbm4b:s4+s17], $0x40, s7, s17, $0xb8;
	[tilespmem:$0x1E640] =	vst v63  }
0x9a: {  	_ =	swait.ge [sflag:s26], $0x1F40  }
0x9b: {  	[sflag:s26] =	ssyncset.done $0x0  }
0x9c: {  	s7 =	sadd.s32 $0x2800, s13;
	[sflag:s26] =	ssyncadd.s32 $0xFFFFE0C0  }
0x9d: {  	[spmem:s2] =	stream.indirect.scatter.add.f32 [tilespmem:s16], [sflag:$0x9], $0x40, s7, s17, $0xb8;
	[tilespmem:$0x1E640] =	vst v63  }
0x9e: {  	_ =	swait.ge [sflag:s28], $0x1F40  }
0x9f: {  	[sflag:s28] =	ssyncset.done $0x0  }
0xa0: {  	s7 =	sadd.s32 $0x2880, s13;
	[sflag:s28] =	ssyncadd.s32 $0xFFFFE0C0  }
0xa1: {  	[spmem:s2] =	stream.indirect.scatter.add.f32 [tilespmem:s18], [sflag:$0xA], $0x40, s7, s17, $0xb8;
	[tilespmem:$0x1E640] =	vst v63  }
0xa2: {  	_ =	swait.ge [sflag:s29], $0x1F40  }
0xa3: {  	[sflag:s29] =	ssyncset.done $0x0  }
0xa4: {  	s7 =	sadd.s32 $0x2900, s13;
	[sflag:s29] =	ssyncadd.s32 $0xFFFFE0C0  }
0xa5: {  	[spmem:s2] =	stream.indirect.scatter.add.f32 [tilespmem:s19], [sflag:$0xB], $0x40, s7, s17, $0xb8;
	[tilespmem:$0x1E640] =	vst v63  }
0xa6: {  	_ =	swait.ge [sflag:s30], $0x1F40  }
0xa7: {  	[sflag:s30] =	ssyncset.done $0x0  }
0xa8: {  	s7 =	sadd.s32 $0x2980, s13;
	[sflag:s30] =	ssyncadd.s32 $0xFFFFE0C0  }
0xa9: {  	[spmem:s2] =	stream.indirect.scatter.add.f32 [tilespmem:s20], [sflag:$0xC], $0x40, s7, s17, $0xb8;
	[tilespmem:$0x1E640] =	vst v63  }
0xaa: {  	_ =	swait.ge [sflag:s31], $0x1F40  }
0xab: {  	[sflag:s31] =	ssyncset.done $0x0  }
0xac: {  	s7 =	sadd.s32 $0x2A00, s13;
	[sflag:s31] =	ssyncadd.s32 $0xFFFFE0C0  }
0xad: {  	[spmem:s2] =	stream.indirect.scatter.add.f32 [tilespmem:s21], [sflag:$0xD], $0x40, s7, s17, $0xb8;
	[tilespmem:$0x1E640] =	vst v63  }
0xae: {  	_ =	swait.ge [sflag:s0], $0x1F40  }
0xaf: {  	[sflag:s0] =	ssyncset.done $0x0  }
0xb0: {  	s7 =	sadd.s32 $0x2A80, s13;
	[sflag:s0] =	ssyncadd.s32 $0xFFFFE0C0  }
0xb1: {  	[spmem:s2] =	stream.indirect.scatter.add.f32 [tilespmem:s22], [sflag:$0xE], $0x40, s7, s17, $0xb8;
	[tilespmem:$0x1E640] =	vst v63  }
0xb2: {  	_ =	swait.ge [sflag:s15], $0x1F40  }
0xb3: {  	[sflag:s15] =	ssyncset.done $0x0  }
0xb4: {  	s7 =	sadd.s32 $0x2B00, s13;
	[sflag:s15] =	ssyncadd.s32 $0xFFFFE0C0  }
0xb5: {  	[spmem:s2] =	stream.indirect.scatter.add.f32 [tilespmem:s23], [sflag:$0xF], $0x40, s7, s17, $0xb8;
	[tilespmem:$0x1E640] =	vst v63  }
0xb6: {  	_ =	swait.ge [sflag:s1], $0x1F40  }
0xb7: {  	[sflag:s1] =	ssyncset.done $0x0  }
0xb8: {  	s7 =	sadd.s32 $0x2B80, s13;
	[sflag:s1] =	ssyncadd.s32 $0xFFFFE0C0  }
0xb9: {  	[spmem:s2] =	stream.indirect.scatter.add.f32 [tilespmem:s24], [sflag:$0x10], $0x40, s7, s17, $0xb8;
	[tilespmem:$0x1E640] =	vst v63  }
0xba: {  	_ =	swait.ge [sflag:s3], $0x1F40  }
0xbb: {  	[sflag:s3] =	ssyncset.done $0x0  }
0xbc: {  	[sflag:s3] =	ssyncadd.s32 $0xFFFFE0C0  }
0xbd: {  	_ =	swait.ge [sflag:s5], $0x1F40  }
0xbe: {  	[sflag:s5] =	ssyncset.done $0x0  }
0xbf: {  	[sflag:s5] =	ssyncadd.s32 $0xFFFFE0C0  }
0xc0: {  	_ =	swait.ge [sflag:s6], $0x1F40  }
0xc1: {  	[sflag:s6] =	ssyncset.done $0x0  }
0xc2: {  	[sflag:s6] =	ssyncadd.s32 $0xFFFFE0C0  }
0xc3: {  	_ =	swait.ge [sflag:s8], $0x1F40  }
0xc4: {  	[sflag:s8] =	ssyncset.done $0x0  }
0xc5: {  	[sflag:s8] =	ssyncadd.s32 $0xFFFFE0C0  }
0xc6: {  	_ =	swait.ge [sflag:s9], $0x1F40  }
0xc7: {  	[sflag:s9] =	ssyncset.done $0x0  }
0xc8: {  	[sflag:s9] =	ssyncadd.s32 $0xFFFFE0C0  }
0xc9: {  	_ =	swait.ge [sflag:s10], $0x1F40  }
0xca: {  	[sflag:s10] =	ssyncset.done $0x0  }
0xcb: {  	[sflag:s10] =	ssyncadd.s32 $0xFFFFE0C0  }
.Ltmp1:
0xcc: {  	_ =	swait.ge [sflag:s11], $0x1F40;
	(pc) =	sbr.rel @p1 .LBB2_4-.Ltmp1, $4  }
0xcd: {  	[sflag:s11] =	ssyncset.done $0x0  }
0xce: {  	[sflag:s11] =	ssyncadd.s32 $0xFFFFE0C0  }
0xcf: {  	_ =	swait.ge [sflag:s12], $0x1F40  }
0xd0: {  	s7 =	smov.u32 s14;
	[sflag:s12] =	ssyncset.done $0x0  }
0xd1: {  	s7 =	sshra.s32 s25, $0x2;
	[sflag:s12] =	ssyncadd.s32 $0xFFFFE0C0  }
0xd2: {  	[tilespmem:s16], [sflag:$0x1] =	stream.indirect.gather [hbm4b:s4+s17], $0x40, s7, s17, $0xb8;
	[tilespmem:$0x1E640] =	vst v63  }
0xd3: {  	s13 =	sadd.s32 $0x80, s7  }
0xd4: {  	[tilespmem:s18], [sflag:$0x2] =	stream.indirect.gather [hbm4b:s4+s17], $0x40, s13, s17, $0xb8;
	[tilespmem:$0x1E640] =	vst v63  }
0xd5: {  	s25 =	sadd.s32 $0x100, s7  }
0xd6: {  	[tilespmem:s19], [sflag:$0x3] =	stream.indirect.gather [hbm4b:s4+s17], $0x40, s25, s17, $0xb8;
	[tilespmem:$0x1E640] =	vst v63  }
0xd7: {  	s14 =	sadd.s32 $0x180, s7  }
0xd8: {  	[tilespmem:s20], [sflag:$0x4] =	stream.indirect.gather [hbm4b:s4+s17], $0x40, s14, s17, $0xb8;
	[tilespmem:$0x1E640] =	vst v63  }
0xd9: {  	s25 =	sadd.s32 $0x200, s7  }
0xda: {  	[tilespmem:s21], [sflag:$0x5] =	stream.indirect.gather [hbm4b:s4+s17], $0x40, s25, s17, $0xb8;
	[tilespmem:$0x1E640] =	vst v63  }
0xdb: {  	s14 =	sadd.s32 $0x280, s7  }
0xdc: {  	[tilespmem:s22], [sflag:$0x6] =	stream.indirect.gather [hbm4b:s4+s17], $0x40, s14, s17, $0xb8;
	[tilespmem:$0x1E640] =	vst v63  }
0xdd: {  	s25 =	sadd.s32 $0x300, s7  }
0xde: {  	[tilespmem:s23], [sflag:$0x7] =	stream.indirect.gather [hbm4b:s4+s17], $0x40, s25, s17, $0xb8;
	[tilespmem:$0x1E640] =	vst v63  }
0xdf: {  	s14 =	sadd.s32 $0x380, s7  }
0xe0: {  	[tilespmem:s24], [sflag:$0x8] =	stream.indirect.gather [hbm4b:s4+s17], $0x40, s14, s17, $0xb8;
	[tilespmem:$0x1E640] =	vst v63  }
0xe1: {  	_ =	swait.ge [sflag:s26], $0x1F40  }
0xe2: {  	[sflag:s26] =	ssyncset.done $0x0  }
0xe3: {  	s25 =	sadd.s32 $0x2800, s7;
	[sflag:s26] =	ssyncadd.s32 $0xFFFFE0C0  }
0xe4: {  	[spmem:s2] =	stream.indirect.scatter.add.f32 [tilespmem:s16], [sflag:$0x9], $0x40, s25, s17, $0xb8;
	[tilespmem:$0x1E640] =	vst v63  }
0xe5: {  	_ =	swait.ge [sflag:s28], $0x1F40  }
0xe6: {  	[sflag:s28] =	ssyncset.done $0x0  }
0xe7: {  	s14 =	sadd.s32 $0x2880, s7;
	[sflag:s28] =	ssyncadd.s32 $0xFFFFE0C0  }
0xe8: {  	[spmem:s2] =	stream.indirect.scatter.add.f32 [tilespmem:s18], [sflag:$0xA], $0x40, s14, s17, $0xb8;
	[tilespmem:$0x1E640] =	vst v63  }
0xe9: {  	_ =	swait.ge [sflag:s29], $0x1F40  }
0xea: {  	[sflag:s29] =	ssyncset.done $0x0  }
0xeb: {  	s25 =	sadd.s32 $0x2900, s7;
	[sflag:s29] =	ssyncadd.s32 $0xFFFFE0C0  }
0xec: {  	[spmem:s2] =	stream.indirect.scatter.add.f32 [tilespmem:s19], [sflag:$0xB], $0x40, s25, s17, $0xb8;
	[tilespmem:$0x1E640] =	vst v63  }
0xed: {  	_ =	swait.ge [sflag:s30], $0x1F40  }
0xee: {  	[sflag:s30] =	ssyncset.done $0x0  }
0xef: {  	s14 =	sadd.s32 $0x2980, s7;
	[sflag:s30] =	ssyncadd.s32 $0xFFFFE0C0  }
0xf0: {  	[spmem:s2] =	stream.indirect.scatter.add.f32 [tilespmem:s20], [sflag:$0xC], $0x40, s14, s17, $0xb8;
	[tilespmem:$0x1E640] =	vst v63  }
0xf1: {  	_ =	swait.ge [sflag:s31], $0x1F40  }
0xf2: {  	[sflag:s31] =	ssyncset.done $0x0  }
0xf3: {  	s25 =	sadd.s32 $0x2A00, s7;
	[sflag:s31] =	ssyncadd.s32 $0xFFFFE0C0  }
0xf4: {  	[spmem:s2] =	stream.indirect.scatter.add.f32 [tilespmem:s21], [sflag:$0xD], $0x40, s25, s17, $0xb8;
	[tilespmem:$0x1E640] =	vst v63  }
0xf5: {  	_ =	swait.ge [sflag:s0], $0x1F40  }
0xf6: {  	[sflag:s0] =	ssyncset.done $0x0  }
0xf7: {  	s14 =	sadd.s32 $0x2A80, s7;
	[sflag:s0] =	ssyncadd.s32 $0xFFFFE0C0  }
0xf8: {  	[spmem:s2] =	stream.indirect.scatter.add.f32 [tilespmem:s22], [sflag:$0xE], $0x40, s14, s17, $0xb8;
	[tilespmem:$0x1E640] =	vst v63  }
0xf9: {  	_ =	swait.ge [sflag:s15], $0x1F40  }
0xfa: {  	[sflag:s15] =	ssyncset.done $0x0  }
0xfb: {  	s25 =	sadd.s32 $0x2B00, s7;
	[sflag:s15] =	ssyncadd.s32 $0xFFFFE0C0  }
0xfc: {  	[spmem:s2] =	stream.indirect.scatter.add.f32 [tilespmem:s23], [sflag:$0xF], $0x40, s25, s17, $0xb8;
	[tilespmem:$0x1E640] =	vst v63  }
0xfd: {  	_ =	swait.ge [sflag:s1], $0x1F40  }
0xfe: {  	[sflag:s1] =	ssyncset.done $0x0  }
0xff: {  	s7 =	sadd.s32 $0x2B80, s7;
	[sflag:s1] =	ssyncadd.s32 $0xFFFFE0C0  }
0x100: {  	[spmem:s2] =	stream.indirect.scatter.add.f32 [tilespmem:s24], [sflag:$0x10], $0x40, s7, s17, $0xb8;
	[tilespmem:$0x1E640] =	vst v63  }
0x101: {  	_ =	swait.ge [sflag:s3], $0x1F40  }
0x102: {  	[sflag:s3] =	ssyncset.done $0x0  }
0x103: {  	[sflag:s3] =	ssyncadd.s32 $0xFFFFE0C0  }
0x104: {  	_ =	swait.ge [sflag:s5], $0x1F40  }
0x105: {  	[sflag:s5] =	ssyncset.done $0x0  }
0x106: {  	[sflag:s5] =	ssyncadd.s32 $0xFFFFE0C0  }
0x107: {  	_ =	swait.ge [sflag:s6], $0x1F40  }
0x108: {  	[sflag:s6] =	ssyncset.done $0x0  }
0x109: {  	[sflag:s6] =	ssyncadd.s32 $0xFFFFE0C0  }
0x10a: {  	_ =	swait.ge [sflag:s8], $0x1F40  }
0x10b: {  	[sflag:s8] =	ssyncset.done $0x0  }
0x10c: {  	[sflag:s8] =	ssyncadd.s32 $0xFFFFE0C0  }
0x10d: {  	_ =	swait.ge [sflag:s9], $0x1F40  }
0x10e: {  	[sflag:s9] =	ssyncset.done $0x0  }
0x10f: {  	[sflag:s9] =	ssyncadd.s32 $0xFFFFE0C0  }
0x110: {  	_ =	swait.ge [sflag:s10], $0x1F40  }
0x111: {  	[sflag:s10] =	ssyncset.done $0x0  }
0x112: {  	[sflag:s10] =	ssyncadd.s32 $0xFFFFE0C0  }
0x113: {  	_ =	swait.ge [sflag:s11], $0x1F40  }
0x114: {  	[sflag:s11] =	ssyncset.done $0x0  }
0x115: {  	[sflag:s11] =	ssyncadd.s32 $0xFFFFE0C0  }
0x116: {  	_ =	swait.ge [sflag:s12], $0x1F40  }
0x117: {  	[sflag:s12] =	ssyncset.done $0x0  }
0x118: {  	[sflag:s12] =	ssyncadd.s32 $0xFFFFE0C0  }
0x119: {  	s7 =	stileid.u32;
	[bflag:$0x0] =	sbarrier.arrive $0xFFFF  }
0x11a: {  	s7 =	sshll.u32 @!p0 s7, $0x6;
	s13 =	rddreg [dreg:$0xb]  }
0x11b: {  	s7 =	sor.u32 @!p0 $0x1C11, s7;
	s14 =	rddreg [dreg:$0xd]  }
0x11c: {  	[hbm:s13], [sflag:s7] =	dma.local @!p0 [spmem:s14], $0x1F40  }
0x11d: {  	s7 =	simm.s32 @!p0 $0x11  }
0x11e: {  	_ =	swait.ge @!p0 [sflag:s7], $0x1F40  }
0x11f: {  	s13 =	rddreg [dreg:$0xe]  }
0x120: {  	s25 =	rddreg [dreg:$0xc];
	s14 =	sadd.s32 $0x1, s13  }
0x121: {  	p1 =	sne.s32 s14, s25  }
.Ltmp2:
0x122: {  	_ = 	snop;
	(pc) =	sbr.rel @p1 .LBB2_1-.Ltmp2, $3  }
0x123: {  	_ =	sdelay $0x1  }
0x124: {  	[sflag:s7] =	ssyncset.done @!p0 $0x0  }
0x125: {  	[sflag:s7] =	ssyncadd.s32 @!p0 $0xFFFFE0C0;
	s25 =	simm.s32 $0x11  }
0x126: {  	_ =	sfence.sel $0x180000  }
0x127: {  	[bflag:$0x0] =	sbarrier.arrive $0xFFFF  }
0x128: {  	_ =	strace $0x90000047  }
0x129: {  	s0 =	stileid.u32;
	[bflag:$0x2] =	sbarrier.arrive $0xFFFF  }
0x12a: {  	p0 =	sne.s32 s0, $0x0;
	s0 =	rddreg [dreg:$0x3]  }
0x12b: {  	s0 =	sadd.s32 @!p0 $0x100000, s0  }
0x12c: {  	[sflag:s0] =	ssyncadd.tile.s32 @!p0 $0x1;
	_ =	shalt  }
.Lfunc_end2:
_tile_overlayer_lowered:
.L_overlay_start_2:
0x12d: {  	(tag) =	ssettag $0x2  }
0x12e: {  	s0 =	rddreg [dreg:$0x0];
	s2 =	stileid.u32  }
0x12f: {  	s1 =	rddreg [dreg:$0x1];
	p0 =	sne.s32 s2, $0x0  }
0x130: {  	s3 =	rddreg [dreg:$0x2];
	[bflag:$0x3] =	sbarrier.arrive $0xFFFF;
	s2 =	simm.s32 @!p0 $0x1C11  }
0x131: {  	[timem:s3], [sflag:s2] =	dma.local @!p0 [hbm:s0], s1  }
0x132: {  	s0 =	simm.s32 @!p0 $0x11  }
0x133: {  	_ =	swait.ge @!p0 [sflag:s0], s1  }
0x134: {  	s1 =	ssub.s32 @!p0 $0x0, s1;
	[sflag:s0] =	ssyncset.done @!p0 $0x0  }
0x135: {  	[sflag:s0] =	ssyncadd.s32 @!p0 s1  }
0x136: {  	[bflag:$0x3] =	sbarrier.arrive $0xFFFF  }
0x137: {  	_ =	shalt  }

</sc_bundles>
